<compile_context>
chip_gen: v7x
topology: tpu7x:2x2x1
jax: 0.10.2.dev20260603
libtpu: 0.0.44.dev20260713+nightly
codegen_flags: <defaults>
</compile_context>

<pallas_src>
import functools

import jax
import jax.numpy as jnp
from jax import lax
from jax.experimental import pallas as pl
from jax.experimental.pallas import tpu as pltpu
from jax.experimental.pallas import tpu_sc as plsc

NC = 2
NS = 16
NW = NC * NS

B = 16384
D = 64
BW = B // NW
CH = 4
CW = BW // CH


def _k1_body(wi_hbm, wj_hbm, wt_hbm, wc_hbm, ei_hbm, ej_hbm,
             idxi_v, idxj_v, ei_v, ej_v, sem):
    wid = lax.axis_index("s") * NC + lax.axis_index("c")

    pltpu.sync_copy(wi_hbm.at[wid], idxi_v)
    pltpu.sync_copy(wj_hbm.at[wid], idxj_v)

    cps = [None, None]
    for j in range(CH):
        s = j & 1
        if cps[s] is not None:
            ca, cb, jo = cps[s]
            ca.wait()
            cb.wait()
            pltpu.sync_copy(ei_v.at[s], ei_hbm.at[pl.ds(wid * BW + jo * CW, CW)])
            pltpu.sync_copy(ej_v.at[s], ej_hbm.at[pl.ds(wid * BW + jo * CW, CW)])
        cps[s] = (
            pltpu.async_copy(wt_hbm.at[idxi_v.at[j]], ei_v.at[s], sem),
            pltpu.async_copy(wc_hbm.at[idxj_v.at[j]], ej_v.at[s], sem),
            j,
        )
    for s in range(2):
        ca, cb, jo = cps[s]
        ca.wait()
        cb.wait()
        pltpu.sync_copy(ei_v.at[s], ei_hbm.at[pl.ds(wid * BW + jo * CW, CW)])
        pltpu.sync_copy(ej_v.at[s], ej_hbm.at[pl.ds(wid * BW + jo * CW, CW)])


@functools.lru_cache(maxsize=1)
def _get_k1():
    return pl.kernel(
        _k1_body,
        out_type=[
            jax.ShapeDtypeStruct((B, 2 * D), jnp.float32),
            jax.ShapeDtypeStruct((B, 2 * D), jnp.float32),
        ],
        mesh=plsc.VectorSubcoreMesh(core_axis_name="c", subcore_axis_name="s"),
        compiler_params=pltpu.CompilerParams(
            needs_layout_passes=False, use_tc_tiling_on_sc=True,
            disable_bounds_checks=True),
        scratch_types=[
            pltpu.VMEM((CH, CW), jnp.int32),
            pltpu.VMEM((CH, CW), jnp.int32),
            pltpu.VMEM((2, CW, 2 * D), jnp.float32),
            pltpu.VMEM((2, CW, 2 * D), jnp.float32),
            pltpu.SemaphoreType.DMA,
        ],
    )


G = 8
BR = B // G


def _k2a_body(eif_ref, ejf_ref, yp_ref):
    yp_ref[...] = jnp.sum(eif_ref[..., :D] * ejf_ref[..., :D], axis=1,
                          keepdims=True)


def _k2b_body(yp_ref, yt_ref, o_ref):
    yp = yp_ref[...]
    ws = jnp.sum(jnp.power(yp * jnp.float32(0.01), jnp.float32(0.75)))
    d = yp - jnp.log(yt_ref[...].astype(jnp.float32))
    o_ref[...] = ws * (d * d)


def kernel(w_i, w_j, y_true, W_target, W_context):
    wi3 = w_i.reshape(NW, CH, CW)
    wj3 = w_j.reshape(NW, CH, CW)
    wtp = jnp.pad(W_target, ((0, 0), (0, D)))
    wcp = jnp.pad(W_context, ((0, 0), (0, D)))
    eif, ejf = _get_k1()(wi3, wj3, wtp, wcp)
    ypred = pl.pallas_call(
        _k2a_body,
        grid=(G,),
        in_specs=[
            pl.BlockSpec((BR, 2 * D), lambda i: (i, 0)),
            pl.BlockSpec((BR, 2 * D), lambda i: (i, 0)),
        ],
        out_specs=pl.BlockSpec((BR, 1), lambda i: (i, 0)),
        out_shape=jax.ShapeDtypeStruct((B, 1), jnp.float32),
    )(eif, ejf)
    return pl.pallas_call(
        _k2b_body,
        out_shape=jax.ShapeDtypeStruct((B, 1), jnp.float32),
    )(ypred, y_true)

# --- scband reference (transcript-rebuilt; emitter-appended) ---
"""Pipeline reference for scband-glo-ve-model-multi-input-61804579389706 (READ-ONLY COPY).

The authoritative reference and input builder live on the scoring server;
editing this copy changes nothing except your own understanding.
"""

import jax, jax.numpy as jnp
import numpy as np

V = 1000000  # corpus_size
D = 64       # property_size
B = 16384    # batch

def setup_inputs(seed: int = 0) -> dict:
    key = jax.random.key(seed)
    k1, k2, k3, k4, k5 = jax.random.split(key, 5)
    w_i = jax.random.randint(k1, (B, 1), 0, V, dtype=jnp.int32)
    w_j = jax.random.randint(k2, (B, 1), 0, V, dtype=jnp.int32)
    # co-occurrence counts must be >= 1 so log(y_true) is finite
    y_true = jax.random.randint(k3, (B, 1), 1, 100, dtype=jnp.int32)
    # GloVe embedding layer parameters: target and context tables.
    # Positive-valued init keeps y_pred >= 0 so pow(y_pred/count_max, 3/4) is finite
    # (the original TF code has the same NaN hazard for negative dot products).
    W_target = jax.random.uniform(k4, (V, D), minval=0.0, maxval=0.05, dtype=jnp.float32)
    W_context = jax.random.uniform(k5, (V, D), minval=0.0, maxval=0.05, dtype=jnp.float32)
    return {"w_i": w_i, "w_j": w_j, "y_true": y_true,
            "W_target": W_target, "W_context": W_context}

def reference(w_i, w_j, y_true, W_target, W_context):
    # embedding_layer(input[0], input[1]) -> (target_emb, context_emb)
    e_i = W_target[w_i]    # gather: [B, 1, D]
    e_j = W_context[w_j]   # gather: [B, 1, D]
    # keras Dot(axes=-1) over last axis, squeezed to [B, 1]
    y_pred = jnp.sum(e_i * e_j, axis=-1)  # [B, 1]
    # GloVe weighted loss from the module:
    # K.sum(K.pow(y_pred/count_max, 3/4)) * K.square(y_pred - K.log(y_true))
    count_max = jnp.float32(100.0)
    scaling_factor = jnp.float32(0.75)
    ip = y_true.astype(jnp.float32)  # [B, 1]
    weight_sum = jnp.sum(jnp.power(y_pred / count_max, scaling_factor))
    out = weight_sum * jnp.square(y_pred - jnp.log(ip))  # [B, 1]
    return out

if __name__ == "__main__":
    import jax
    _d = setup_inputs()
    print(jax.jit(kernel)(*tuple(_d.values())))

</pallas_src>

<mosaic_0001>
#map = affine_map<(d0, d1) -> (0, 0, 0)>
#map1 = affine_map<(d0, d1) -> (0, 0)>
module attributes {stable_mosaic.version = 14 : i64} {
  func.func @_k1_body(%arg0: i32, %arg1: i32, %arg2: memref<32x4x128xi32, #tpu.memory_space<hbm>>, %arg3: memref<32x4x128xi32, #tpu.memory_space<hbm>>, %arg4: memref<1000000x128xf32, #tpu.memory_space<hbm>>, %arg5: memref<1000000x128xf32, #tpu.memory_space<hbm>>, %arg6: memref<16384x128xf32, #tpu.memory_space<hbm>>, %arg7: memref<16384x128xf32, #tpu.memory_space<hbm>>, %arg8: memref<4x128xi32, #tpu.memory_space<vmem>>, %arg9: memref<4x128xi32, #tpu.memory_space<vmem>>, %arg10: memref<2x128x128xf32, #tpu.memory_space<vmem>>, %arg11: memref<2x128x128xf32, #tpu.memory_space<vmem>>, %arg12: memref<!tpu.dma_semaphore, #tpu.memory_space<semaphore_mem>>) attributes {dimension_semantics = [#tpu.dimension_semantics<core_parallel>, #tpu.dimension_semantics<subcore_parallel>], iteration_bounds = array<i64: 2, 16>, scalar_prefetch = 0 : i64, scratch_operands = 5 : i64, tpu.core_type = #tpu.core_type<sc_vector_subcore>, window_params = [{transform_indices = #map}, {transform_indices = #map}, {transform_indices = #map1}, {transform_indices = #map1}, {transform_indices = #map1}, {transform_indices = #map1}]} {
    %mul3A = arith.constant 2 : i32
    %mul3A_0 = arith.muli %arg1, %mul3A : i32
    %add3A = arith.addi %mul3A_0, %arg0 : i32
    "tpu.region"() ({
      %run_scoped3A_230 = tpu.sem_alloc : memref<!tpu.dma_semaphore, #tpu.memory_space<semaphore_mem>>
      %dma_start3A_231 = arith.constant 0 : i32
      %dma_start3A_232 = arith.constant 0 : i32
      %dma_start3A_233 = tpu.memref_slice %arg2[%add3A, %dma_start3A_231, %dma_start3A_232] : memref<32x4x128xi32, #tpu.memory_space<hbm>> -> memref<1x4x128xi32, #tpu.memory_space<hbm>>
      %dma_start3A_234 = tpu.memref_squeeze %dma_start3A_233 : memref<1x4x128xi32, #tpu.memory_space<hbm>> -> memref<4x128xi32, #tpu.memory_space<hbm>>
      %dma_start3A_235 = arith.constant 0 : i32
      %dma_start3A_236 = arith.constant 0 : i32
      %dma_start3A_237 = tpu.memref_slice %arg2[%add3A, %dma_start3A_235, %dma_start3A_236] : memref<32x4x128xi32, #tpu.memory_space<hbm>> -> memref<1x4x128xi32, #tpu.memory_space<hbm>>
      %dma_start3A_238 = tpu.memref_squeeze %dma_start3A_237 : memref<1x4x128xi32, #tpu.memory_space<hbm>> -> memref<4x128xi32, #tpu.memory_space<hbm>>
      tpu.enqueue_dma source(%dma_start3A_238 : memref<4x128xi32, #tpu.memory_space<hbm>>) target(%arg8 : memref<4x128xi32, #tpu.memory_space<vmem>>) target_semaphore(%run_scoped3A_230 : memref<!tpu.dma_semaphore, #tpu.memory_space<semaphore_mem>>)
      %dma_wait3A_239 = arith.constant 0 : i32
      %dma_wait3A_240 = arith.constant 0 : i32
      %dma_wait3A_241 = tpu.memref_slice %arg2[%add3A, %dma_wait3A_239, %dma_wait3A_240] : memref<32x4x128xi32, #tpu.memory_space<hbm>> -> memref<1x4x128xi32, #tpu.memory_space<hbm>>
      %dma_wait3A_242 = tpu.memref_squeeze %dma_wait3A_241 : memref<1x4x128xi32, #tpu.memory_space<hbm>> -> memref<4x128xi32, #tpu.memory_space<hbm>>
      %dma_wait3A_243 = arith.constant 0 : i32
      %dma_wait3A_244 = arith.constant 0 : i32
      %dma_wait3A_245 = tpu.memref_slice %arg2[%add3A, %dma_wait3A_243, %dma_wait3A_244] : memref<32x4x128xi32, #tpu.memory_space<hbm>> -> memref<1x4x128xi32, #tpu.memory_space<hbm>>
      %dma_wait3A_246 = tpu.memref_squeeze %dma_wait3A_245 : memref<1x4x128xi32, #tpu.memory_space<hbm>> -> memref<4x128xi32, #tpu.memory_space<hbm>>
      tpu.wait_dma2 semaphore(%run_scoped3A_230 : memref<!tpu.dma_semaphore, #tpu.memory_space<semaphore_mem>>) src(%dma_wait3A_246 : memref<4x128xi32, #tpu.memory_space<hbm>>) dst(%arg8 : memref<4x128xi32, #tpu.memory_space<vmem>>)
      tpu.yield
    }) : () -> ()
    "tpu.region"() ({
      %run_scoped3A_230 = tpu.sem_alloc : memref<!tpu.dma_semaphore, #tpu.memory_space<semaphore_mem>>
      %dma_start3A_231 = arith.constant 0 : i32
      %dma_start3A_232 = arith.constant 0 : i32
      %dma_start3A_233 = tpu.memref_slice %arg3[%add3A, %dma_start3A_231, %dma_start3A_232] : memref<32x4x128xi32, #tpu.memory_space<hbm>> -> memref<1x4x128xi32, #tpu.memory_space<hbm>>
      %dma_start3A_234 = tpu.memref_squeeze %dma_start3A_233 : memref<1x4x128xi32, #tpu.memory_space<hbm>> -> memref<4x128xi32, #tpu.memory_space<hbm>>
      %dma_start3A_235 = arith.constant 0 : i32
      %dma_start3A_236 = arith.constant 0 : i32
      %dma_start3A_237 = tpu.memref_slice %arg3[%add3A, %dma_start3A_235, %dma_start3A_236] : memref<32x4x128xi32, #tpu.memory_space<hbm>> -> memref<1x4x128xi32, #tpu.memory_space<hbm>>
      %dma_start3A_238 = tpu.memref_squeeze %dma_start3A_237 : memref<1x4x128xi32, #tpu.memory_space<hbm>> -> memref<4x128xi32, #tpu.memory_space<hbm>>
      tpu.enqueue_dma source(%dma_start3A_238 : memref<4x128xi32, #tpu.memory_space<hbm>>) target(%arg9 : memref<4x128xi32, #tpu.memory_space<vmem>>) target_semaphore(%run_scoped3A_230 : memref<!tpu.dma_semaphore, #tpu.memory_space<semaphore_mem>>)
      %dma_wait3A_239 = arith.constant 0 : i32
      %dma_wait3A_240 = arith.constant 0 : i32
      %dma_wait3A_241 = tpu.memref_slice %arg3[%add3A, %dma_wait3A_239, %dma_wait3A_240] : memref<32x4x128xi32, #tpu.memory_space<hbm>> -> memref<1x4x128xi32, #tpu.memory_space<hbm>>
      %dma_wait3A_242 = tpu.memref_squeeze %dma_wait3A_241 : memref<1x4x128xi32, #tpu.memory_space<hbm>> -> memref<4x128xi32, #tpu.memory_space<hbm>>
      %dma_wait3A_243 = arith.constant 0 : i32
      %dma_wait3A_244 = arith.constant 0 : i32
      %dma_wait3A_245 = tpu.memref_slice %arg3[%add3A, %dma_wait3A_243, %dma_wait3A_244] : memref<32x4x128xi32, #tpu.memory_space<hbm>> -> memref<1x4x128xi32, #tpu.memory_space<hbm>>
      %dma_wait3A_246 = tpu.memref_squeeze %dma_wait3A_245 : memref<1x4x128xi32, #tpu.memory_space<hbm>> -> memref<4x128xi32, #tpu.memory_space<hbm>>
      tpu.wait_dma2 semaphore(%run_scoped3A_230 : memref<!tpu.dma_semaphore, #tpu.memory_space<semaphore_mem>>) src(%dma_wait3A_246 : memref<4x128xi32, #tpu.memory_space<hbm>>) dst(%arg9 : memref<4x128xi32, #tpu.memory_space<vmem>>)
      tpu.yield
    }) : () -> ()
    %dma_start3A = arith.constant 0 : i32
    %dma_start3A_1 = arith.constant 0 : i32
    %dma_start3A_2 = arith.constant 0 : i32
    %dma_start3A_3 = arith.constant 0 : i32
    %dma_start3A_4 = tpu.memref_slice %arg10[%dma_start3A_1, %dma_start3A_2, %dma_start3A_3] : memref<2x128x128xf32, #tpu.memory_space<vmem>> -> memref<1x128x128xf32, #tpu.memory_space<vmem>>
    %dma_start3A_5 = tpu.memref_squeeze %dma_start3A_4 : memref<1x128x128xf32, #tpu.memory_space<vmem>> -> memref<128x128xf32, #tpu.memory_space<vmem>>
    %dma_start3A_6 = arith.constant 0 : i32
    %dma_start3A_7 = tpu.memref_slice %arg8[%dma_start3A, %dma_start3A_6] : memref<4x128xi32, #tpu.memory_space<vmem>> -> memref<1x128xi32, #tpu.memory_space<vmem>>
    %dma_start3A_8 = tpu.memref_squeeze %dma_start3A_7 : memref<1x128xi32, #tpu.memory_space<vmem>> -> memref<128xi32, #tpu.memory_space<vmem>>
    %dma_start3A_9 = arith.constant 0 : i32
    %dma_start3A_10 = arith.constant 0 : i32
    %dma_start3A_11 = tpu.memref_slice %arg4[%dma_start3A_9, %dma_start3A_10] : memref<1000000x128xf32, #tpu.memory_space<hbm>> -> memref<1000000x128xf32, #tpu.memory_space<hbm>>
    tpu.enqueue_indirect_dma source(%dma_start3A_11 : memref<1000000x128xf32, #tpu.memory_space<hbm>>) target(%dma_start3A_5 : memref<128x128xf32, #tpu.memory_space<vmem>>) offsets(%dma_start3A_8 : memref<128xi32, #tpu.memory_space<vmem>>) semaphore(%arg12 : memref<!tpu.dma_semaphore, #tpu.memory_space<semaphore_mem>>)
    %dma_start3A_12 = arith.constant 0 : i32
    %dma_start3A_13 = arith.constant 0 : i32
    %dma_start3A_14 = arith.constant 0 : i32
    %dma_start3A_15 = arith.constant 0 : i32
    %dma_start3A_16 = tpu.memref_slice %arg11[%dma_start3A_13, %dma_start3A_14, %dma_start3A_15] : memref<2x128x128xf32, #tpu.memory_space<vmem>> -> memref<1x128x128xf32, #tpu.memory_space<vmem>>
    %dma_start3A_17 = tpu.memref_squeeze %dma_start3A_16 : memref<1x128x128xf32, #tpu.memory_space<vmem>> -> memref<128x128xf32, #tpu.memory_space<vmem>>
    %dma_start3A_18 = arith.constant 0 : i32
    %dma_start3A_19 = tpu.memref_slice %arg9[%dma_start3A_12, %dma_start3A_18] : memref<4x128xi32, #tpu.memory_space<vmem>> -> memref<1x128xi32, #tpu.memory_space<vmem>>
    %dma_start3A_20 = tpu.memref_squeeze %dma_start3A_19 : memref<1x128xi32, #tpu.memory_space<vmem>> -> memref<128xi32, #tpu.memory_space<vmem>>
    %dma_start3A_21 = arith.constant 0 : i32
    %dma_start3A_22 = arith.constant 0 : i32
    %dma_start3A_23 = tpu.memref_slice %arg5[%dma_start3A_21, %dma_start3A_22] : memref<1000000x128xf32, #tpu.memory_space<hbm>> -> memref<1000000x128xf32, #tpu.memory_space<hbm>>
    tpu.enqueue_indirect_dma source(%dma_start3A_23 : memref<1000000x128xf32, #tpu.memory_space<hbm>>) target(%dma_start3A_17 : memref<128x128xf32, #tpu.memory_space<vmem>>) offsets(%dma_start3A_20 : memref<128xi32, #tpu.memory_space<vmem>>) semaphore(%arg12 : memref<!tpu.dma_semaphore, #tpu.memory_space<semaphore_mem>>)
    %dma_start3A_24 = arith.constant 1 : i32
    %dma_start3A_25 = arith.constant 1 : i32
    %dma_start3A_26 = arith.constant 0 : i32
    %dma_start3A_27 = arith.constant 0 : i32
    %dma_start3A_28 = tpu.memref_slice %arg10[%dma_start3A_25, %dma_start3A_26, %dma_start3A_27] : memref<2x128x128xf32, #tpu.memory_space<vmem>> -> memref<1x128x128xf32, #tpu.memory_space<vmem>>
    %dma_start3A_29 = tpu.memref_squeeze %dma_start3A_28 : memref<1x128x128xf32, #tpu.memory_space<vmem>> -> memref<128x128xf32, #tpu.memory_space<vmem>>
    %dma_start3A_30 = arith.constant 0 : i32
    %dma_start3A_31 = tpu.memref_slice %arg8[%dma_start3A_24, %dma_start3A_30] : memref<4x128xi32, #tpu.memory_space<vmem>> -> memref<1x128xi32, #tpu.memory_space<vmem>>
    %dma_start3A_32 = tpu.memref_squeeze %dma_start3A_31 : memref<1x128xi32, #tpu.memory_space<vmem>> -> memref<128xi32, #tpu.memory_space<vmem>>
    %dma_start3A_33 = arith.constant 0 : i32
    %dma_start3A_34 = arith.constant 0 : i32
    %dma_start3A_35 = tpu.memref_slice %arg4[%dma_start3A_33, %dma_start3A_34] : memref<1000000x128xf32, #tpu.memory_space<hbm>> -> memref<1000000x128xf32, #tpu.memory_space<hbm>>
    tpu.enqueue_indirect_dma source(%dma_start3A_35 : memref<1000000x128xf32, #tpu.memory_space<hbm>>) target(%dma_start3A_29 : memref<128x128xf32, #tpu.memory_space<vmem>>) offsets(%dma_start3A_32 : memref<128xi32, #tpu.memory_space<vmem>>) semaphore(%arg12 : memref<!tpu.dma_semaphore, #tpu.memory_space<semaphore_mem>>)
    %dma_start3A_36 = arith.constant 1 : i32
    %dma_start3A_37 = arith.constant 1 : i32
    %dma_start3A_38 = arith.constant 0 : i32
    %dma_start3A_39 = arith.constant 0 : i32
    %dma_start3A_40 = tpu.memref_slice %arg11[%dma_start3A_37, %dma_start3A_38, %dma_start3A_39] : memref<2x128x128xf32, #tpu.memory_space<vmem>> -> memref<1x128x128xf32, #tpu.memory_space<vmem>>
    %dma_start3A_41 = tpu.memref_squeeze %dma_start3A_40 : memref<1x128x128xf32, #tpu.memory_space<vmem>> -> memref<128x128xf32, #tpu.memory_space<vmem>>
    %dma_start3A_42 = arith.constant 0 : i32
    %dma_start3A_43 = tpu.memref_slice %arg9[%dma_start3A_36, %dma_start3A_42] : memref<4x128xi32, #tpu.memory_space<vmem>> -> memref<1x128xi32, #tpu.memory_space<vmem>>
    %dma_start3A_44 = tpu.memref_squeeze %dma_start3A_43 : memref<1x128xi32, #tpu.memory_space<vmem>> -> memref<128xi32, #tpu.memory_space<vmem>>
    %dma_start3A_45 = arith.constant 0 : i32
    %dma_start3A_46 = arith.constant 0 : i32
    %dma_start3A_47 = tpu.memref_slice %arg5[%dma_start3A_45, %dma_start3A_46] : memref<1000000x128xf32, #tpu.memory_space<hbm>> -> memref<1000000x128xf32, #tpu.memory_space<hbm>>
    tpu.enqueue_indirect_dma source(%dma_start3A_47 : memref<1000000x128xf32, #tpu.memory_space<hbm>>) target(%dma_start3A_41 : memref<128x128xf32, #tpu.memory_space<vmem>>) offsets(%dma_start3A_44 : memref<128xi32, #tpu.memory_space<vmem>>) semaphore(%arg12 : memref<!tpu.dma_semaphore, #tpu.memory_space<semaphore_mem>>)
    %dma_wait3A = arith.constant 0 : i32
    %dma_wait3A_48 = arith.constant 0 : i32
    %dma_wait3A_49 = arith.constant 0 : i32
    %dma_wait3A_50 = arith.constant 0 : i32
    %dma_wait3A_51 = tpu.memref_slice %arg10[%dma_wait3A_48, %dma_wait3A_49, %dma_wait3A_50] : memref<2x128x128xf32, #tpu.memory_space<vmem>> -> memref<1x128x128xf32, #tpu.memory_space<vmem>>
    %dma_wait3A_52 = tpu.memref_squeeze %dma_wait3A_51 : memref<1x128x128xf32, #tpu.memory_space<vmem>> -> memref<128x128xf32, #tpu.memory_space<vmem>>
    %dma_wait3A_53 = arith.constant 0 : i32
    %dma_wait3A_54 = tpu.memref_slice %arg8[%dma_wait3A, %dma_wait3A_53] : memref<4x128xi32, #tpu.memory_space<vmem>> -> memref<1x128xi32, #tpu.memory_space<vmem>>
    %dma_wait3A_55 = tpu.memref_squeeze %dma_wait3A_54 : memref<1x128xi32, #tpu.memory_space<vmem>> -> memref<128xi32, #tpu.memory_space<vmem>>
    %dma_wait3A_56 = arith.constant 0 : i32
    %dma_wait3A_57 = arith.constant 0 : i32
    %dma_wait3A_58 = tpu.memref_slice %arg4[%dma_wait3A_56, %dma_wait3A_57] : memref<1000000x128xf32, #tpu.memory_space<hbm>> -> memref<1000000x128xf32, #tpu.memory_space<hbm>>
    tpu.wait_indirect_dma semaphore(%arg12 : memref<!tpu.dma_semaphore, #tpu.memory_space<semaphore_mem>>) src(%dma_wait3A_58 : memref<1000000x128xf32, #tpu.memory_space<hbm>>) dst(%dma_wait3A_52 : memref<128x128xf32, #tpu.memory_space<vmem>>)
    %dma_wait3A_59 = arith.constant 0 : i32
    %dma_wait3A_60 = arith.constant 0 : i32
    %dma_wait3A_61 = arith.constant 0 : i32
    %dma_wait3A_62 = arith.constant 0 : i32
    %dma_wait3A_63 = tpu.memref_slice %arg11[%dma_wait3A_60, %dma_wait3A_61, %dma_wait3A_62] : memref<2x128x128xf32, #tpu.memory_space<vmem>> -> memref<1x128x128xf32, #tpu.memory_space<vmem>>
    %dma_wait3A_64 = tpu.memref_squeeze %dma_wait3A_63 : memref<1x128x128xf32, #tpu.memory_space<vmem>> -> memref<128x128xf32, #tpu.memory_space<vmem>>
    %dma_wait3A_65 = arith.constant 0 : i32
    %dma_wait3A_66 = tpu.memref_slice %arg9[%dma_wait3A_59, %dma_wait3A_65] : memref<4x128xi32, #tpu.memory_space<vmem>> -> memref<1x128xi32, #tpu.memory_space<vmem>>
    %dma_wait3A_67 = tpu.memref_squeeze %dma_wait3A_66 : memref<1x128xi32, #tpu.memory_space<vmem>> -> memref<128xi32, #tpu.memory_space<vmem>>
    %dma_wait3A_68 = arith.constant 0 : i32
    %dma_wait3A_69 = arith.constant 0 : i32
    %dma_wait3A_70 = tpu.memref_slice %arg5[%dma_wait3A_68, %dma_wait3A_69] : memref<1000000x128xf32, #tpu.memory_space<hbm>> -> memref<1000000x128xf32, #tpu.memory_space<hbm>>
    tpu.wait_indirect_dma semaphore(%arg12 : memref<!tpu.dma_semaphore, #tpu.memory_space<semaphore_mem>>) src(%dma_wait3A_70 : memref<1000000x128xf32, #tpu.memory_space<hbm>>) dst(%dma_wait3A_64 : memref<128x128xf32, #tpu.memory_space<vmem>>)
    %mul3A_71 = arith.constant 512 : i32
    %mul3A_72 = arith.muli %add3A, %mul3A_71 : i32
    %add3A_73 = arith.constant 0 : i32
    %add3A_74 = arith.addi %mul3A_72, %add3A_73 : i32
    %run_scoped3A = arith.constant 0 : i32
    "tpu.region"() ({
      %run_scoped3A_230 = tpu.sem_alloc : memref<!tpu.dma_semaphore, #tpu.memory_space<semaphore_mem>>
      %dma_start3A_231 = arith.constant 0 : i32
      %dma_start3A_232 = arith.constant 0 : i32
      %dma_start3A_233 = tpu.memref_slice %arg10[%run_scoped3A, %dma_start3A_231, %dma_start3A_232] : memref<2x128x128xf32, #tpu.memory_space<vmem>> -> memref<1x128x128xf32, #tpu.memory_space<vmem>>
      %dma_start3A_234 = tpu.memref_squeeze %dma_start3A_233 : memref<1x128x128xf32, #tpu.memory_space<vmem>> -> memref<128x128xf32, #tpu.memory_space<vmem>>
      %dma_start3A_235 = arith.constant 0 : i32
      %dma_start3A_236 = tpu.memref_slice %arg6[%add3A_74, %dma_start3A_235] : memref<16384x128xf32, #tpu.memory_space<hbm>> -> memref<128x128xf32, #tpu.memory_space<hbm>>
      %dma_start3A_237 = arith.constant 0 : i32
      %dma_start3A_238 = tpu.memref_slice %arg6[%add3A_74, %dma_start3A_237] : memref<16384x128xf32, #tpu.memory_space<hbm>> -> memref<128x128xf32, #tpu.memory_space<hbm>>
      %dma_start3A_239 = arith.constant 0 : i32
      %dma_start3A_240 = arith.constant 0 : i32
      %dma_start3A_241 = tpu.memref_slice %arg10[%run_scoped3A, %dma_start3A_239, %dma_start3A_240] : memref<2x128x128xf32, #tpu.memory_space<vmem>> -> memref<1x128x128xf32, #tpu.memory_space<vmem>>
      %dma_start3A_242 = tpu.memref_squeeze %dma_start3A_241 : memref<1x128x128xf32, #tpu.memory_space<vmem>> -> memref<128x128xf32, #tpu.memory_space<vmem>>
      tpu.enqueue_dma source(%dma_start3A_242 : memref<128x128xf32, #tpu.memory_space<vmem>>) target(%dma_start3A_238 : memref<128x128xf32, #tpu.memory_space<hbm>>) target_semaphore(%run_scoped3A_230 : memref<!tpu.dma_semaphore, #tpu.memory_space<semaphore_mem>>)
      %dma_wait3A_243 = arith.constant 0 : i32
      %dma_wait3A_244 = arith.constant 0 : i32
      %dma_wait3A_245 = tpu.memref_slice %arg10[%run_scoped3A, %dma_wait3A_243, %dma_wait3A_244] : memref<2x128x128xf32, #tpu.memory_space<vmem>> -> memref<1x128x128xf32, #tpu.memory_space<vmem>>
      %dma_wait3A_246 = tpu.memref_squeeze %dma_wait3A_245 : memref<1x128x128xf32, #tpu.memory_space<vmem>> -> memref<128x128xf32, #tpu.memory_space<vmem>>
      %dma_wait3A_247 = arith.constant 0 : i32
      %dma_wait3A_248 = tpu.memref_slice %arg6[%add3A_74, %dma_wait3A_247] : memref<16384x128xf32, #tpu.memory_space<hbm>> -> memref<128x128xf32, #tpu.memory_space<hbm>>
      %dma_wait3A_249 = arith.constant 0 : i32
      %dma_wait3A_250 = tpu.memref_slice %arg6[%add3A_74, %dma_wait3A_249] : memref<16384x128xf32, #tpu.memory_space<hbm>> -> memref<128x128xf32, #tpu.memory_space<hbm>>
      %dma_wait3A_251 = arith.constant 0 : i32
      %dma_wait3A_252 = arith.constant 0 : i32
      %dma_wait3A_253 = tpu.memref_slice %arg10[%run_scoped3A, %dma_wait3A_251, %dma_wait3A_252] : memref<2x128x128xf32, #tpu.memory_space<vmem>> -> memref<1x128x128xf32, #tpu.memory_space<vmem>>
      %dma_wait3A_254 = tpu.memref_squeeze %dma_wait3A_253 : memref<1x128x128xf32, #tpu.memory_space<vmem>> -> memref<128x128xf32, #tpu.memory_space<vmem>>
      tpu.wait_dma2 semaphore(%run_scoped3A_230 : memref<!tpu.dma_semaphore, #tpu.memory_space<semaphore_mem>>) src(%dma_wait3A_254 : memref<128x128xf32, #tpu.memory_space<vmem>>) dst(%dma_wait3A_250 : memref<128x128xf32, #tpu.memory_space<hbm>>)
      tpu.yield
    }) : () -> ()
    %mul3A_75 = arith.constant 512 : i32
    %mul3A_76 = arith.muli %add3A, %mul3A_75 : i32
    %add3A_77 = arith.constant 0 : i32
    %add3A_78 = arith.addi %mul3A_76, %add3A_77 : i32
    %run_scoped3A_79 = arith.constant 0 : i32
    "tpu.region"() ({
      %run_scoped3A_230 = tpu.sem_alloc : memref<!tpu.dma_semaphore, #tpu.memory_space<semaphore_mem>>
      %dma_start3A_231 = arith.constant 0 : i32
      %dma_start3A_232 = arith.constant 0 : i32
      %dma_start3A_233 = tpu.memref_slice %arg11[%run_scoped3A_79, %dma_start3A_231, %dma_start3A_232] : memref<2x128x128xf32, #tpu.memory_space<vmem>> -> memref<1x128x128xf32, #tpu.memory_space<vmem>>
      %dma_start3A_234 = tpu.memref_squeeze %dma_start3A_233 : memref<1x128x128xf32, #tpu.memory_space<vmem>> -> memref<128x128xf32, #tpu.memory_space<vmem>>
      %dma_start3A_235 = arith.constant 0 : i32
      %dma_start3A_236 = tpu.memref_slice %arg7[%add3A_78, %dma_start3A_235] : memref<16384x128xf32, #tpu.memory_space<hbm>> -> memref<128x128xf32, #tpu.memory_space<hbm>>
      %dma_start3A_237 = arith.constant 0 : i32
      %dma_start3A_238 = tpu.memref_slice %arg7[%add3A_78, %dma_start3A_237] : memref<16384x128xf32, #tpu.memory_space<hbm>> -> memref<128x128xf32, #tpu.memory_space<hbm>>
      %dma_start3A_239 = arith.constant 0 : i32
      %dma_start3A_240 = arith.constant 0 : i32
      %dma_start3A_241 = tpu.memref_slice %arg11[%run_scoped3A_79, %dma_start3A_239, %dma_start3A_240] : memref<2x128x128xf32, #tpu.memory_space<vmem>> -> memref<1x128x128xf32, #tpu.memory_space<vmem>>
      %dma_start3A_242 = tpu.memref_squeeze %dma_start3A_241 : memref<1x128x128xf32, #tpu.memory_space<vmem>> -> memref<128x128xf32, #tpu.memory_space<vmem>>
      tpu.enqueue_dma source(%dma_start3A_242 : memref<128x128xf32, #tpu.memory_space<vmem>>) target(%dma_start3A_238 : memref<128x128xf32, #tpu.memory_space<hbm>>) target_semaphore(%run_scoped3A_230 : memref<!tpu.dma_semaphore, #tpu.memory_space<semaphore_mem>>)
      %dma_wait3A_243 = arith.constant 0 : i32
      %dma_wait3A_244 = arith.constant 0 : i32
      %dma_wait3A_245 = tpu.memref_slice %arg11[%run_scoped3A_79, %dma_wait3A_243, %dma_wait3A_244] : memref<2x128x128xf32, #tpu.memory_space<vmem>> -> memref<1x128x128xf32, #tpu.memory_space<vmem>>
      %dma_wait3A_246 = tpu.memref_squeeze %dma_wait3A_245 : memref<1x128x128xf32, #tpu.memory_space<vmem>> -> memref<128x128xf32, #tpu.memory_space<vmem>>
      %dma_wait3A_247 = arith.constant 0 : i32
      %dma_wait3A_248 = tpu.memref_slice %arg7[%add3A_78, %dma_wait3A_247] : memref<16384x128xf32, #tpu.memory_space<hbm>> -> memref<128x128xf32, #tpu.memory_space<hbm>>
      %dma_wait3A_249 = arith.constant 0 : i32
      %dma_wait3A_250 = tpu.memref_slice %arg7[%add3A_78, %dma_wait3A_249] : memref<16384x128xf32, #tpu.memory_space<hbm>> -> memref<128x128xf32, #tpu.memory_space<hbm>>
      %dma_wait3A_251 = arith.constant 0 : i32
      %dma_wait3A_252 = arith.constant 0 : i32
      %dma_wait3A_253 = tpu.memref_slice %arg11[%run_scoped3A_79, %dma_wait3A_251, %dma_wait3A_252] : memref<2x128x128xf32, #tpu.memory_space<vmem>> -> memref<1x128x128xf32, #tpu.memory_space<vmem>>
      %dma_wait3A_254 = tpu.memref_squeeze %dma_wait3A_253 : memref<1x128x128xf32, #tpu.memory_space<vmem>> -> memref<128x128xf32, #tpu.memory_space<vmem>>
      tpu.wait_dma2 semaphore(%run_scoped3A_230 : memref<!tpu.dma_semaphore, #tpu.memory_space<semaphore_mem>>) src(%dma_wait3A_254 : memref<128x128xf32, #tpu.memory_space<vmem>>) dst(%dma_wait3A_250 : memref<128x128xf32, #tpu.memory_space<hbm>>)
      tpu.yield
    }) : () -> ()
    %dma_start3A_80 = arith.constant 2 : i32
    %dma_start3A_81 = arith.constant 0 : i32
    %dma_start3A_82 = arith.constant 0 : i32
    %dma_start3A_83 = arith.constant 0 : i32
    %dma_start3A_84 = tpu.memref_slice %arg10[%dma_start3A_81, %dma_start3A_82, %dma_start3A_83] : memref<2x128x128xf32, #tpu.memory_space<vmem>> -> memref<1x128x128xf32, #tpu.memory_space<vmem>>
    %dma_start3A_85 = tpu.memref_squeeze %dma_start3A_84 : memref<1x128x128xf32, #tpu.memory_space<vmem>> -> memref<128x128xf32, #tpu.memory_space<vmem>>
    %dma_start3A_86 = arith.constant 0 : i32
    %dma_start3A_87 = tpu.memref_slice %arg8[%dma_start3A_80, %dma_start3A_86] : memref<4x128xi32, #tpu.memory_space<vmem>> -> memref<1x128xi32, #tpu.memory_space<vmem>>
    %dma_start3A_88 = tpu.memref_squeeze %dma_start3A_87 : memref<1x128xi32, #tpu.memory_space<vmem>> -> memref<128xi32, #tpu.memory_space<vmem>>
    %dma_start3A_89 = arith.constant 0 : i32
    %dma_start3A_90 = arith.constant 0 : i32
    %dma_start3A_91 = tpu.memref_slice %arg4[%dma_start3A_89, %dma_start3A_90] : memref<1000000x128xf32, #tpu.memory_space<hbm>> -> memref<1000000x128xf32, #tpu.memory_space<hbm>>
    tpu.enqueue_indirect_dma source(%dma_start3A_91 : memref<1000000x128xf32, #tpu.memory_space<hbm>>) target(%dma_start3A_85 : memref<128x128xf32, #tpu.memory_space<vmem>>) offsets(%dma_start3A_88 : memref<128xi32, #tpu.memory_space<vmem>>) semaphore(%arg12 : memref<!tpu.dma_semaphore, #tpu.memory_space<semaphore_mem>>)
    %dma_start3A_92 = arith.constant 2 : i32
    %dma_start3A_93 = arith.constant 0 : i32
    %dma_start3A_94 = arith.constant 0 : i32
    %dma_start3A_95 = arith.constant 0 : i32
    %dma_start3A_96 = tpu.memref_slice %arg11[%dma_start3A_93, %dma_start3A_94, %dma_start3A_95] : memref<2x128x128xf32, #tpu.memory_space<vmem>> -> memref<1x128x128xf32, #tpu.memory_space<vmem>>
    %dma_start3A_97 = tpu.memref_squeeze %dma_start3A_96 : memref<1x128x128xf32, #tpu.memory_space<vmem>> -> memref<128x128xf32, #tpu.memory_space<vmem>>
    %dma_start3A_98 = arith.constant 0 : i32
    %dma_start3A_99 = tpu.memref_slice %arg9[%dma_start3A_92, %dma_start3A_98] : memref<4x128xi32, #tpu.memory_space<vmem>> -> memref<1x128xi32, #tpu.memory_space<vmem>>
    %dma_start3A_100 = tpu.memref_squeeze %dma_start3A_99 : memref<1x128xi32, #tpu.memory_space<vmem>> -> memref<128xi32, #tpu.memory_space<vmem>>
    %dma_start3A_101 = arith.constant 0 : i32
    %dma_start3A_102 = arith.constant 0 : i32
    %dma_start3A_103 = tpu.memref_slice %arg5[%dma_start3A_101, %dma_start3A_102] : memref<1000000x128xf32, #tpu.memory_space<hbm>> -> memref<1000000x128xf32, #tpu.memory_space<hbm>>
    tpu.enqueue_indirect_dma source(%dma_start3A_103 : memref<1000000x128xf32, #tpu.memory_space<hbm>>) target(%dma_start3A_97 : memref<128x128xf32, #tpu.memory_space<vmem>>) offsets(%dma_start3A_100 : memref<128xi32, #tpu.memory_space<vmem>>) semaphore(%arg12 : memref<!tpu.dma_semaphore, #tpu.memory_space<semaphore_mem>>)
    %dma_wait3A_104 = arith.constant 1 : i32
    %dma_wait3A_105 = arith.constant 1 : i32
    %dma_wait3A_106 = arith.constant 0 : i32
    %dma_wait3A_107 = arith.constant 0 : i32
    %dma_wait3A_108 = tpu.memref_slice %arg10[%dma_wait3A_105, %dma_wait3A_106, %dma_wait3A_107] : memref<2x128x128xf32, #tpu.memory_space<vmem>> -> memref<1x128x128xf32, #tpu.memory_space<vmem>>
    %dma_wait3A_109 = tpu.memref_squeeze %dma_wait3A_108 : memref<1x128x128xf32, #tpu.memory_space<vmem>> -> memref<128x128xf32, #tpu.memory_space<vmem>>
    %dma_wait3A_110 = arith.constant 0 : i32
    %dma_wait3A_111 = tpu.memref_slice %arg8[%dma_wait3A_104, %dma_wait3A_110] : memref<4x128xi32, #tpu.memory_space<vmem>> -> memref<1x128xi32, #tpu.memory_space<vmem>>
    %dma_wait3A_112 = tpu.memref_squeeze %dma_wait3A_111 : memref<1x128xi32, #tpu.memory_space<vmem>> -> memref<128xi32, #tpu.memory_space<vmem>>
    %dma_wait3A_113 = arith.constant 0 : i32
    %dma_wait3A_114 = arith.constant 0 : i32
    %dma_wait3A_115 = tpu.memref_slice %arg4[%dma_wait3A_113, %dma_wait3A_114] : memref<1000000x128xf32, #tpu.memory_space<hbm>> -> memref<1000000x128xf32, #tpu.memory_space<hbm>>
    tpu.wait_indirect_dma semaphore(%arg12 : memref<!tpu.dma_semaphore, #tpu.memory_space<semaphore_mem>>) src(%dma_wait3A_115 : memref<1000000x128xf32, #tpu.memory_space<hbm>>) dst(%dma_wait3A_109 : memref<128x128xf32, #tpu.memory_space<vmem>>)
    %dma_wait3A_116 = arith.constant 1 : i32
    %dma_wait3A_117 = arith.constant 1 : i32
    %dma_wait3A_118 = arith.constant 0 : i32
    %dma_wait3A_119 = arith.constant 0 : i32
    %dma_wait3A_120 = tpu.memref_slice %arg11[%dma_wait3A_117, %dma_wait3A_118, %dma_wait3A_119] : memref<2x128x128xf32, #tpu.memory_space<vmem>> -> memref<1x128x128xf32, #tpu.memory_space<vmem>>
    %dma_wait3A_121 = tpu.memref_squeeze %dma_wait3A_120 : memref<1x128x128xf32, #tpu.memory_space<vmem>> -> memref<128x128xf32, #tpu.memory_space<vmem>>
    %dma_wait3A_122 = arith.constant 0 : i32
    %dma_wait3A_123 = tpu.memref_slice %arg9[%dma_wait3A_116, %dma_wait3A_122] : memref<4x128xi32, #tpu.memory_space<vmem>> -> memref<1x128xi32, #tpu.memory_space<vmem>>
    %dma_wait3A_124 = tpu.memref_squeeze %dma_wait3A_123 : memref<1x128xi32, #tpu.memory_space<vmem>> -> memref<128xi32, #tpu.memory_space<vmem>>
    %dma_wait3A_125 = arith.constant 0 : i32
    %dma_wait3A_126 = arith.constant 0 : i32
    %dma_wait3A_127 = tpu.memref_slice %arg5[%dma_wait3A_125, %dma_wait3A_126] : memref<1000000x128xf32, #tpu.memory_space<hbm>> -> memref<1000000x128xf32, #tpu.memory_space<hbm>>
    tpu.wait_indirect_dma semaphore(%arg12 : memref<!tpu.dma_semaphore, #tpu.memory_space<semaphore_mem>>) src(%dma_wait3A_127 : memref<1000000x128xf32, #tpu.memory_space<hbm>>) dst(%dma_wait3A_121 : memref<128x128xf32, #tpu.memory_space<vmem>>)
    %mul3A_128 = arith.constant 512 : i32
    %mul3A_129 = arith.muli %add3A, %mul3A_128 : i32
    %add3A_130 = arith.constant 128 : i32
    %add3A_131 = arith.addi %mul3A_129, %add3A_130 : i32
    %run_scoped3A_132 = arith.constant 1 : i32
    "tpu.region"() ({
      %run_scoped3A_230 = tpu.sem_alloc : memref<!tpu.dma_semaphore, #tpu.memory_space<semaphore_mem>>
      %dma_start3A_231 = arith.constant 0 : i32
      %dma_start3A_232 = arith.constant 0 : i32
      %dma_start3A_233 = tpu.memref_slice %arg10[%run_scoped3A_132, %dma_start3A_231, %dma_start3A_232] : memref<2x128x128xf32, #tpu.memory_space<vmem>> -> memref<1x128x128xf32, #tpu.memory_space<vmem>>
      %dma_start3A_234 = tpu.memref_squeeze %dma_start3A_233 : memref<1x128x128xf32, #tpu.memory_space<vmem>> -> memref<128x128xf32, #tpu.memory_space<vmem>>
      %dma_start3A_235 = arith.constant 0 : i32
      %dma_start3A_236 = tpu.memref_slice %arg6[%add3A_131, %dma_start3A_235] : memref<16384x128xf32, #tpu.memory_space<hbm>> -> memref<128x128xf32, #tpu.memory_space<hbm>>
      %dma_start3A_237 = arith.constant 0 : i32
      %dma_start3A_238 = tpu.memref_slice %arg6[%add3A_131, %dma_start3A_237] : memref<16384x128xf32, #tpu.memory_space<hbm>> -> memref<128x128xf32, #tpu.memory_space<hbm>>
      %dma_start3A_239 = arith.constant 0 : i32
      %dma_start3A_240 = arith.constant 0 : i32
      %dma_start3A_241 = tpu.memref_slice %arg10[%run_scoped3A_132, %dma_start3A_239, %dma_start3A_240] : memref<2x128x128xf32, #tpu.memory_space<vmem>> -> memref<1x128x128xf32, #tpu.memory_space<vmem>>
      %dma_start3A_242 = tpu.memref_squeeze %dma_start3A_241 : memref<1x128x128xf32, #tpu.memory_space<vmem>> -> memref<128x128xf32, #tpu.memory_space<vmem>>
      tpu.enqueue_dma source(%dma_start3A_242 : memref<128x128xf32, #tpu.memory_space<vmem>>) target(%dma_start3A_238 : memref<128x128xf32, #tpu.memory_space<hbm>>) target_semaphore(%run_scoped3A_230 : memref<!tpu.dma_semaphore, #tpu.memory_space<semaphore_mem>>)
      %dma_wait3A_243 = arith.constant 0 : i32
      %dma_wait3A_244 = arith.constant 0 : i32
      %dma_wait3A_245 = tpu.memref_slice %arg10[%run_scoped3A_132, %dma_wait3A_243, %dma_wait3A_244] : memref<2x128x128xf32, #tpu.memory_space<vmem>> -> memref<1x128x128xf32, #tpu.memory_space<vmem>>
      %dma_wait3A_246 = tpu.memref_squeeze %dma_wait3A_245 : memref<1x128x128xf32, #tpu.memory_space<vmem>> -> memref<128x128xf32, #tpu.memory_space<vmem>>
      %dma_wait3A_247 = arith.constant 0 : i32
      %dma_wait3A_248 = tpu.memref_slice %arg6[%add3A_131, %dma_wait3A_247] : memref<16384x128xf32, #tpu.memory_space<hbm>> -> memref<128x128xf32, #tpu.memory_space<hbm>>
      %dma_wait3A_249 = arith.constant 0 : i32
      %dma_wait3A_250 = tpu.memref_slice %arg6[%add3A_131, %dma_wait3A_249] : memref<16384x128xf32, #tpu.memory_space<hbm>> -> memref<128x128xf32, #tpu.memory_space<hbm>>
      %dma_wait3A_251 = arith.constant 0 : i32
      %dma_wait3A_252 = arith.constant 0 : i32
      %dma_wait3A_253 = tpu.memref_slice %arg10[%run_scoped3A_132, %dma_wait3A_251, %dma_wait3A_252] : memref<2x128x128xf32, #tpu.memory_space<vmem>> -> memref<1x128x128xf32, #tpu.memory_space<vmem>>
      %dma_wait3A_254 = tpu.memref_squeeze %dma_wait3A_253 : memref<1x128x128xf32, #tpu.memory_space<vmem>> -> memref<128x128xf32, #tpu.memory_space<vmem>>
      tpu.wait_dma2 semaphore(%run_scoped3A_230 : memref<!tpu.dma_semaphore, #tpu.memory_space<semaphore_mem>>) src(%dma_wait3A_254 : memref<128x128xf32, #tpu.memory_space<vmem>>) dst(%dma_wait3A_250 : memref<128x128xf32, #tpu.memory_space<hbm>>)
      tpu.yield
    }) : () -> ()
    %mul3A_133 = arith.constant 512 : i32
    %mul3A_134 = arith.muli %add3A, %mul3A_133 : i32
    %add3A_135 = arith.constant 128 : i32
    %add3A_136 = arith.addi %mul3A_134, %add3A_135 : i32
    %run_scoped3A_137 = arith.constant 1 : i32
    "tpu.region"() ({
      %run_scoped3A_230 = tpu.sem_alloc : memref<!tpu.dma_semaphore, #tpu.memory_space<semaphore_mem>>
      %dma_start3A_231 = arith.constant 0 : i32
      %dma_start3A_232 = arith.constant 0 : i32
      %dma_start3A_233 = tpu.memref_slice %arg11[%run_scoped3A_137, %dma_start3A_231, %dma_start3A_232] : memref<2x128x128xf32, #tpu.memory_space<vmem>> -> memref<1x128x128xf32, #tpu.memory_space<vmem>>
      %dma_start3A_234 = tpu.memref_squeeze %dma_start3A_233 : memref<1x128x128xf32, #tpu.memory_space<vmem>> -> memref<128x128xf32, #tpu.memory_space<vmem>>
      %dma_start3A_235 = arith.constant 0 : i32
      %dma_start3A_236 = tpu.memref_slice %arg7[%add3A_136, %dma_start3A_235] : memref<16384x128xf32, #tpu.memory_space<hbm>> -> memref<128x128xf32, #tpu.memory_space<hbm>>
      %dma_start3A_237 = arith.constant 0 : i32
      %dma_start3A_238 = tpu.memref_slice %arg7[%add3A_136, %dma_start3A_237] : memref<16384x128xf32, #tpu.memory_space<hbm>> -> memref<128x128xf32, #tpu.memory_space<hbm>>
      %dma_start3A_239 = arith.constant 0 : i32
      %dma_start3A_240 = arith.constant 0 : i32
      %dma_start3A_241 = tpu.memref_slice %arg11[%run_scoped3A_137, %dma_start3A_239, %dma_start3A_240] : memref<2x128x128xf32, #tpu.memory_space<vmem>> -> memref<1x128x128xf32, #tpu.memory_space<vmem>>
      %dma_start3A_242 = tpu.memref_squeeze %dma_start3A_241 : memref<1x128x128xf32, #tpu.memory_space<vmem>> -> memref<128x128xf32, #tpu.memory_space<vmem>>
      tpu.enqueue_dma source(%dma_start3A_242 : memref<128x128xf32, #tpu.memory_space<vmem>>) target(%dma_start3A_238 : memref<128x128xf32, #tpu.memory_space<hbm>>) target_semaphore(%run_scoped3A_230 : memref<!tpu.dma_semaphore, #tpu.memory_space<semaphore_mem>>)
      %dma_wait3A_243 = arith.constant 0 : i32
      %dma_wait3A_244 = arith.constant 0 : i32
      %dma_wait3A_245 = tpu.memref_slice %arg11[%run_scoped3A_137, %dma_wait3A_243, %dma_wait3A_244] : memref<2x128x128xf32, #tpu.memory_space<vmem>> -> memref<1x128x128xf32, #tpu.memory_space<vmem>>
      %dma_wait3A_246 = tpu.memref_squeeze %dma_wait3A_245 : memref<1x128x128xf32, #tpu.memory_space<vmem>> -> memref<128x128xf32, #tpu.memory_space<vmem>>
      %dma_wait3A_247 = arith.constant 0 : i32
      %dma_wait3A_248 = tpu.memref_slice %arg7[%add3A_136, %dma_wait3A_247] : memref<16384x128xf32, #tpu.memory_space<hbm>> -> memref<128x128xf32, #tpu.memory_space<hbm>>
      %dma_wait3A_249 = arith.constant 0 : i32
      %dma_wait3A_250 = tpu.memref_slice %arg7[%add3A_136, %dma_wait3A_249] : memref<16384x128xf32, #tpu.memory_space<hbm>> -> memref<128x128xf32, #tpu.memory_space<hbm>>
      %dma_wait3A_251 = arith.constant 0 : i32
      %dma_wait3A_252 = arith.constant 0 : i32
      %dma_wait3A_253 = tpu.memref_slice %arg11[%run_scoped3A_137, %dma_wait3A_251, %dma_wait3A_252] : memref<2x128x128xf32, #tpu.memory_space<vmem>> -> memref<1x128x128xf32, #tpu.memory_space<vmem>>
      %dma_wait3A_254 = tpu.memref_squeeze %dma_wait3A_253 : memref<1x128x128xf32, #tpu.memory_space<vmem>> -> memref<128x128xf32, #tpu.memory_space<vmem>>
      tpu.wait_dma2 semaphore(%run_scoped3A_230 : memref<!tpu.dma_semaphore, #tpu.memory_space<semaphore_mem>>) src(%dma_wait3A_254 : memref<128x128xf32, #tpu.memory_space<vmem>>) dst(%dma_wait3A_250 : memref<128x128xf32, #tpu.memory_space<hbm>>)
      tpu.yield
    }) : () -> ()
    %dma_start3A_138 = arith.constant 3 : i32
    %dma_start3A_139 = arith.constant 1 : i32
    %dma_start3A_140 = arith.constant 0 : i32
    %dma_start3A_141 = arith.constant 0 : i32
    %dma_start3A_142 = tpu.memref_slice %arg10[%dma_start3A_139, %dma_start3A_140, %dma_start3A_141] : memref<2x128x128xf32, #tpu.memory_space<vmem>> -> memref<1x128x128xf32, #tpu.memory_space<vmem>>
    %dma_start3A_143 = tpu.memref_squeeze %dma_start3A_142 : memref<1x128x128xf32, #tpu.memory_space<vmem>> -> memref<128x128xf32, #tpu.memory_space<vmem>>
    %dma_start3A_144 = arith.constant 0 : i32
    %dma_start3A_145 = tpu.memref_slice %arg8[%dma_start3A_138, %dma_start3A_144] : memref<4x128xi32, #tpu.memory_space<vmem>> -> memref<1x128xi32, #tpu.memory_space<vmem>>
    %dma_start3A_146 = tpu.memref_squeeze %dma_start3A_145 : memref<1x128xi32, #tpu.memory_space<vmem>> -> memref<128xi32, #tpu.memory_space<vmem>>
    %dma_start3A_147 = arith.constant 0 : i32
    %dma_start3A_148 = arith.constant 0 : i32
    %dma_start3A_149 = tpu.memref_slice %arg4[%dma_start3A_147, %dma_start3A_148] : memref<1000000x128xf32, #tpu.memory_space<hbm>> -> memref<1000000x128xf32, #tpu.memory_space<hbm>>
    tpu.enqueue_indirect_dma source(%dma_start3A_149 : memref<1000000x128xf32, #tpu.memory_space<hbm>>) target(%dma_start3A_143 : memref<128x128xf32, #tpu.memory_space<vmem>>) offsets(%dma_start3A_146 : memref<128xi32, #tpu.memory_space<vmem>>) semaphore(%arg12 : memref<!tpu.dma_semaphore, #tpu.memory_space<semaphore_mem>>)
    %dma_start3A_150 = arith.constant 3 : i32
    %dma_start3A_151 = arith.constant 1 : i32
    %dma_start3A_152 = arith.constant 0 : i32
    %dma_start3A_153 = arith.constant 0 : i32
    %dma_start3A_154 = tpu.memref_slice %arg11[%dma_start3A_151, %dma_start3A_152, %dma_start3A_153] : memref<2x128x128xf32, #tpu.memory_space<vmem>> -> memref<1x128x128xf32, #tpu.memory_space<vmem>>
    %dma_start3A_155 = tpu.memref_squeeze %dma_start3A_154 : memref<1x128x128xf32, #tpu.memory_space<vmem>> -> memref<128x128xf32, #tpu.memory_space<vmem>>
    %dma_start3A_156 = arith.constant 0 : i32
    %dma_start3A_157 = tpu.memref_slice %arg9[%dma_start3A_150, %dma_start3A_156] : memref<4x128xi32, #tpu.memory_space<vmem>> -> memref<1x128xi32, #tpu.memory_space<vmem>>
    %dma_start3A_158 = tpu.memref_squeeze %dma_start3A_157 : memref<1x128xi32, #tpu.memory_space<vmem>> -> memref<128xi32, #tpu.memory_space<vmem>>
    %dma_start3A_159 = arith.constant 0 : i32
    %dma_start3A_160 = arith.constant 0 : i32
    %dma_start3A_161 = tpu.memref_slice %arg5[%dma_start3A_159, %dma_start3A_160] : memref<1000000x128xf32, #tpu.memory_space<hbm>> -> memref<1000000x128xf32, #tpu.memory_space<hbm>>
    tpu.enqueue_indirect_dma source(%dma_start3A_161 : memref<1000000x128xf32, #tpu.memory_space<hbm>>) target(%dma_start3A_155 : memref<128x128xf32, #tpu.memory_space<vmem>>) offsets(%dma_start3A_158 : memref<128xi32, #tpu.memory_space<vmem>>) semaphore(%arg12 : memref<!tpu.dma_semaphore, #tpu.memory_space<semaphore_mem>>)
    %dma_wait3A_162 = arith.constant 2 : i32
    %dma_wait3A_163 = arith.constant 0 : i32
    %dma_wait3A_164 = arith.constant 0 : i32
    %dma_wait3A_165 = arith.constant 0 : i32
    %dma_wait3A_166 = tpu.memref_slice %arg10[%dma_wait3A_163, %dma_wait3A_164, %dma_wait3A_165] : memref<2x128x128xf32, #tpu.memory_space<vmem>> -> memref<1x128x128xf32, #tpu.memory_space<vmem>>
    %dma_wait3A_167 = tpu.memref_squeeze %dma_wait3A_166 : memref<1x128x128xf32, #tpu.memory_space<vmem>> -> memref<128x128xf32, #tpu.memory_space<vmem>>
    %dma_wait3A_168 = arith.constant 0 : i32
    %dma_wait3A_169 = tpu.memref_slice %arg8[%dma_wait3A_162, %dma_wait3A_168] : memref<4x128xi32, #tpu.memory_space<vmem>> -> memref<1x128xi32, #tpu.memory_space<vmem>>
    %dma_wait3A_170 = tpu.memref_squeeze %dma_wait3A_169 : memref<1x128xi32, #tpu.memory_space<vmem>> -> memref<128xi32, #tpu.memory_space<vmem>>
    %dma_wait3A_171 = arith.constant 0 : i32
    %dma_wait3A_172 = arith.constant 0 : i32
    %dma_wait3A_173 = tpu.memref_slice %arg4[%dma_wait3A_171, %dma_wait3A_172] : memref<1000000x128xf32, #tpu.memory_space<hbm>> -> memref<1000000x128xf32, #tpu.memory_space<hbm>>
    tpu.wait_indirect_dma semaphore(%arg12 : memref<!tpu.dma_semaphore, #tpu.memory_space<semaphore_mem>>) src(%dma_wait3A_173 : memref<1000000x128xf32, #tpu.memory_space<hbm>>) dst(%dma_wait3A_167 : memref<128x128xf32, #tpu.memory_space<vmem>>)
    %dma_wait3A_174 = arith.constant 2 : i32
    %dma_wait3A_175 = arith.constant 0 : i32
    %dma_wait3A_176 = arith.constant 0 : i32
    %dma_wait3A_177 = arith.constant 0 : i32
    %dma_wait3A_178 = tpu.memref_slice %arg11[%dma_wait3A_175, %dma_wait3A_176, %dma_wait3A_177] : memref<2x128x128xf32, #tpu.memory_space<vmem>> -> memref<1x128x128xf32, #tpu.memory_space<vmem>>
    %dma_wait3A_179 = tpu.memref_squeeze %dma_wait3A_178 : memref<1x128x128xf32, #tpu.memory_space<vmem>> -> memref<128x128xf32, #tpu.memory_space<vmem>>
    %dma_wait3A_180 = arith.constant 0 : i32
    %dma_wait3A_181 = tpu.memref_slice %arg9[%dma_wait3A_174, %dma_wait3A_180] : memref<4x128xi32, #tpu.memory_space<vmem>> -> memref<1x128xi32, #tpu.memory_space<vmem>>
    %dma_wait3A_182 = tpu.memref_squeeze %dma_wait3A_181 : memref<1x128xi32, #tpu.memory_space<vmem>> -> memref<128xi32, #tpu.memory_space<vmem>>
    %dma_wait3A_183 = arith.constant 0 : i32
    %dma_wait3A_184 = arith.constant 0 : i32
    %dma_wait3A_185 = tpu.memref_slice %arg5[%dma_wait3A_183, %dma_wait3A_184] : memref<1000000x128xf32, #tpu.memory_space<hbm>> -> memref<1000000x128xf32, #tpu.memory_space<hbm>>
    tpu.wait_indirect_dma semaphore(%arg12 : memref<!tpu.dma_semaphore, #tpu.memory_space<semaphore_mem>>) src(%dma_wait3A_185 : memref<1000000x128xf32, #tpu.memory_space<hbm>>) dst(%dma_wait3A_179 : memref<128x128xf32, #tpu.memory_space<vmem>>)
    %mul3A_186 = arith.constant 512 : i32
    %mul3A_187 = arith.muli %add3A, %mul3A_186 : i32
    %add3A_188 = arith.constant 256 : i32
    %add3A_189 = arith.addi %mul3A_187, %add3A_188 : i32
    %run_scoped3A_190 = arith.constant 0 : i32
    "tpu.region"() ({
      %run_scoped3A_230 = tpu.sem_alloc : memref<!tpu.dma_semaphore, #tpu.memory_space<semaphore_mem>>
      %dma_start3A_231 = arith.constant 0 : i32
      %dma_start3A_232 = arith.constant 0 : i32
      %dma_start3A_233 = tpu.memref_slice %arg10[%run_scoped3A_190, %dma_start3A_231, %dma_start3A_232] : memref<2x128x128xf32, #tpu.memory_space<vmem>> -> memref<1x128x128xf32, #tpu.memory_space<vmem>>
      %dma_start3A_234 = tpu.memref_squeeze %dma_start3A_233 : memref<1x128x128xf32, #tpu.memory_space<vmem>> -> memref<128x128xf32, #tpu.memory_space<vmem>>
      %dma_start3A_235 = arith.constant 0 : i32
      %dma_start3A_236 = tpu.memref_slice %arg6[%add3A_189, %dma_start3A_235] : memref<16384x128xf32, #tpu.memory_space<hbm>> -> memref<128x128xf32, #tpu.memory_space<hbm>>
      %dma_start3A_237 = arith.constant 0 : i32
      %dma_start3A_238 = tpu.memref_slice %arg6[%add3A_189, %dma_start3A_237] : memref<16384x128xf32, #tpu.memory_space<hbm>> -> memref<128x128xf32, #tpu.memory_space<hbm>>
      %dma_start3A_239 = arith.constant 0 : i32
      %dma_start3A_240 = arith.constant 0 : i32
      %dma_start3A_241 = tpu.memref_slice %arg10[%run_scoped3A_190, %dma_start3A_239, %dma_start3A_240] : memref<2x128x128xf32, #tpu.memory_space<vmem>> -> memref<1x128x128xf32, #tpu.memory_space<vmem>>
      %dma_start3A_242 = tpu.memref_squeeze %dma_start3A_241 : memref<1x128x128xf32, #tpu.memory_space<vmem>> -> memref<128x128xf32, #tpu.memory_space<vmem>>
      tpu.enqueue_dma source(%dma_start3A_242 : memref<128x128xf32, #tpu.memory_space<vmem>>) target(%dma_start3A_238 : memref<128x128xf32, #tpu.memory_space<hbm>>) target_semaphore(%run_scoped3A_230 : memref<!tpu.dma_semaphore, #tpu.memory_space<semaphore_mem>>)
      %dma_wait3A_243 = arith.constant 0 : i32
      %dma_wait3A_244 = arith.constant 0 : i32
      %dma_wait3A_245 = tpu.memref_slice %arg10[%run_scoped3A_190, %dma_wait3A_243, %dma_wait3A_244] : memref<2x128x128xf32, #tpu.memory_space<vmem>> -> memref<1x128x128xf32, #tpu.memory_space<vmem>>
      %dma_wait3A_246 = tpu.memref_squeeze %dma_wait3A_245 : memref<1x128x128xf32, #tpu.memory_space<vmem>> -> memref<128x128xf32, #tpu.memory_space<vmem>>
      %dma_wait3A_247 = arith.constant 0 : i32
      %dma_wait3A_248 = tpu.memref_slice %arg6[%add3A_189, %dma_wait3A_247] : memref<16384x128xf32, #tpu.memory_space<hbm>> -> memref<128x128xf32, #tpu.memory_space<hbm>>
      %dma_wait3A_249 = arith.constant 0 : i32
      %dma_wait3A_250 = tpu.memref_slice %arg6[%add3A_189, %dma_wait3A_249] : memref<16384x128xf32, #tpu.memory_space<hbm>> -> memref<128x128xf32, #tpu.memory_space<hbm>>
      %dma_wait3A_251 = arith.constant 0 : i32
      %dma_wait3A_252 = arith.constant 0 : i32
      %dma_wait3A_253 = tpu.memref_slice %arg10[%run_scoped3A_190, %dma_wait3A_251, %dma_wait3A_252] : memref<2x128x128xf32, #tpu.memory_space<vmem>> -> memref<1x128x128xf32, #tpu.memory_space<vmem>>
      %dma_wait3A_254 = tpu.memref_squeeze %dma_wait3A_253 : memref<1x128x128xf32, #tpu.memory_space<vmem>> -> memref<128x128xf32, #tpu.memory_space<vmem>>
      tpu.wait_dma2 semaphore(%run_scoped3A_230 : memref<!tpu.dma_semaphore, #tpu.memory_space<semaphore_mem>>) src(%dma_wait3A_254 : memref<128x128xf32, #tpu.memory_space<vmem>>) dst(%dma_wait3A_250 : memref<128x128xf32, #tpu.memory_space<hbm>>)
      tpu.yield
    }) : () -> ()
    %mul3A_191 = arith.constant 512 : i32
    %mul3A_192 = arith.muli %add3A, %mul3A_191 : i32
    %add3A_193 = arith.constant 256 : i32
    %add3A_194 = arith.addi %mul3A_192, %add3A_193 : i32
    %run_scoped3A_195 = arith.constant 0 : i32
    "tpu.region"() ({
      %run_scoped3A_230 = tpu.sem_alloc : memref<!tpu.dma_semaphore, #tpu.memory_space<semaphore_mem>>
      %dma_start3A_231 = arith.constant 0 : i32
      %dma_start3A_232 = arith.constant 0 : i32
      %dma_start3A_233 = tpu.memref_slice %arg11[%run_scoped3A_195, %dma_start3A_231, %dma_start3A_232] : memref<2x128x128xf32, #tpu.memory_space<vmem>> -> memref<1x128x128xf32, #tpu.memory_space<vmem>>
      %dma_start3A_234 = tpu.memref_squeeze %dma_start3A_233 : memref<1x128x128xf32, #tpu.memory_space<vmem>> -> memref<128x128xf32, #tpu.memory_space<vmem>>
      %dma_start3A_235 = arith.constant 0 : i32
      %dma_start3A_236 = tpu.memref_slice %arg7[%add3A_194, %dma_start3A_235] : memref<16384x128xf32, #tpu.memory_space<hbm>> -> memref<128x128xf32, #tpu.memory_space<hbm>>
      %dma_start3A_237 = arith.constant 0 : i32
      %dma_start3A_238 = tpu.memref_slice %arg7[%add3A_194, %dma_start3A_237] : memref<16384x128xf32, #tpu.memory_space<hbm>> -> memref<128x128xf32, #tpu.memory_space<hbm>>
      %dma_start3A_239 = arith.constant 0 : i32
      %dma_start3A_240 = arith.constant 0 : i32
      %dma_start3A_241 = tpu.memref_slice %arg11[%run_scoped3A_195, %dma_start3A_239, %dma_start3A_240] : memref<2x128x128xf32, #tpu.memory_space<vmem>> -> memref<1x128x128xf32, #tpu.memory_space<vmem>>
      %dma_start3A_242 = tpu.memref_squeeze %dma_start3A_241 : memref<1x128x128xf32, #tpu.memory_space<vmem>> -> memref<128x128xf32, #tpu.memory_space<vmem>>
      tpu.enqueue_dma source(%dma_start3A_242 : memref<128x128xf32, #tpu.memory_space<vmem>>) target(%dma_start3A_238 : memref<128x128xf32, #tpu.memory_space<hbm>>) target_semaphore(%run_scoped3A_230 : memref<!tpu.dma_semaphore, #tpu.memory_space<semaphore_mem>>)
      %dma_wait3A_243 = arith.constant 0 : i32
      %dma_wait3A_244 = arith.constant 0 : i32
      %dma_wait3A_245 = tpu.memref_slice %arg11[%run_scoped3A_195, %dma_wait3A_243, %dma_wait3A_244] : memref<2x128x128xf32, #tpu.memory_space<vmem>> -> memref<1x128x128xf32, #tpu.memory_space<vmem>>
      %dma_wait3A_246 = tpu.memref_squeeze %dma_wait3A_245 : memref<1x128x128xf32, #tpu.memory_space<vmem>> -> memref<128x128xf32, #tpu.memory_space<vmem>>
      %dma_wait3A_247 = arith.constant 0 : i32
      %dma_wait3A_248 = tpu.memref_slice %arg7[%add3A_194, %dma_wait3A_247] : memref<16384x128xf32, #tpu.memory_space<hbm>> -> memref<128x128xf32, #tpu.memory_space<hbm>>
      %dma_wait3A_249 = arith.constant 0 : i32
      %dma_wait3A_250 = tpu.memref_slice %arg7[%add3A_194, %dma_wait3A_249] : memref<16384x128xf32, #tpu.memory_space<hbm>> -> memref<128x128xf32, #tpu.memory_space<hbm>>
      %dma_wait3A_251 = arith.constant 0 : i32
      %dma_wait3A_252 = arith.constant 0 : i32
      %dma_wait3A_253 = tpu.memref_slice %arg11[%run_scoped3A_195, %dma_wait3A_251, %dma_wait3A_252] : memref<2x128x128xf32, #tpu.memory_space<vmem>> -> memref<1x128x128xf32, #tpu.memory_space<vmem>>
      %dma_wait3A_254 = tpu.memref_squeeze %dma_wait3A_253 : memref<1x128x128xf32, #tpu.memory_space<vmem>> -> memref<128x128xf32, #tpu.memory_space<vmem>>
      tpu.wait_dma2 semaphore(%run_scoped3A_230 : memref<!tpu.dma_semaphore, #tpu.memory_space<semaphore_mem>>) src(%dma_wait3A_254 : memref<128x128xf32, #tpu.memory_space<vmem>>) dst(%dma_wait3A_250 : memref<128x128xf32, #tpu.memory_space<hbm>>)
      tpu.yield
    }) : () -> ()
    %dma_wait3A_196 = arith.constant 3 : i32
    %dma_wait3A_197 = arith.constant 1 : i32
    %dma_wait3A_198 = arith.constant 0 : i32
    %dma_wait3A_199 = arith.constant 0 : i32
    %dma_wait3A_200 = tpu.memref_slice %arg10[%dma_wait3A_197, %dma_wait3A_198, %dma_wait3A_199] : memref<2x128x128xf32, #tpu.memory_space<vmem>> -> memref<1x128x128xf32, #tpu.memory_space<vmem>>
    %dma_wait3A_201 = tpu.memref_squeeze %dma_wait3A_200 : memref<1x128x128xf32, #tpu.memory_space<vmem>> -> memref<128x128xf32, #tpu.memory_space<vmem>>
    %dma_wait3A_202 = arith.constant 0 : i32
    %dma_wait3A_203 = tpu.memref_slice %arg8[%dma_wait3A_196, %dma_wait3A_202] : memref<4x128xi32, #tpu.memory_space<vmem>> -> memref<1x128xi32, #tpu.memory_space<vmem>>
    %dma_wait3A_204 = tpu.memref_squeeze %dma_wait3A_203 : memref<1x128xi32, #tpu.memory_space<vmem>> -> memref<128xi32, #tpu.memory_space<vmem>>
    %dma_wait3A_205 = arith.constant 0 : i32
    %dma_wait3A_206 = arith.constant 0 : i32
    %dma_wait3A_207 = tpu.memref_slice %arg4[%dma_wait3A_205, %dma_wait3A_206] : memref<1000000x128xf32, #tpu.memory_space<hbm>> -> memref<1000000x128xf32, #tpu.memory_space<hbm>>
    tpu.wait_indirect_dma semaphore(%arg12 : memref<!tpu.dma_semaphore, #tpu.memory_space<semaphore_mem>>) src(%dma_wait3A_207 : memref<1000000x128xf32, #tpu.memory_space<hbm>>) dst(%dma_wait3A_201 : memref<128x128xf32, #tpu.memory_space<vmem>>)
    %dma_wait3A_208 = arith.constant 3 : i32
    %dma_wait3A_209 = arith.constant 1 : i32
    %dma_wait3A_210 = arith.constant 0 : i32
    %dma_wait3A_211 = arith.constant 0 : i32
    %dma_wait3A_212 = tpu.memref_slice %arg11[%dma_wait3A_209, %dma_wait3A_210, %dma_wait3A_211] : memref<2x128x128xf32, #tpu.memory_space<vmem>> -> memref<1x128x128xf32, #tpu.memory_space<vmem>>
    %dma_wait3A_213 = tpu.memref_squeeze %dma_wait3A_212 : memref<1x128x128xf32, #tpu.memory_space<vmem>> -> memref<128x128xf32, #tpu.memory_space<vmem>>
    %dma_wait3A_214 = arith.constant 0 : i32
    %dma_wait3A_215 = tpu.memref_slice %arg9[%dma_wait3A_208, %dma_wait3A_214] : memref<4x128xi32, #tpu.memory_space<vmem>> -> memref<1x128xi32, #tpu.memory_space<vmem>>
    %dma_wait3A_216 = tpu.memref_squeeze %dma_wait3A_215 : memref<1x128xi32, #tpu.memory_space<vmem>> -> memref<128xi32, #tpu.memory_space<vmem>>
    %dma_wait3A_217 = arith.constant 0 : i32
    %dma_wait3A_218 = arith.constant 0 : i32
    %dma_wait3A_219 = tpu.memref_slice %arg5[%dma_wait3A_217, %dma_wait3A_218] : memref<1000000x128xf32, #tpu.memory_space<hbm>> -> memref<1000000x128xf32, #tpu.memory_space<hbm>>
    tpu.wait_indirect_dma semaphore(%arg12 : memref<!tpu.dma_semaphore, #tpu.memory_space<semaphore_mem>>) src(%dma_wait3A_219 : memref<1000000x128xf32, #tpu.memory_space<hbm>>) dst(%dma_wait3A_213 : memref<128x128xf32, #tpu.memory_space<vmem>>)
    %mul3A_220 = arith.constant 512 : i32
    %mul3A_221 = arith.muli %add3A, %mul3A_220 : i32
    %add3A_222 = arith.constant 384 : i32
    %add3A_223 = arith.addi %mul3A_221, %add3A_222 : i32
    %run_scoped3A_224 = arith.constant 1 : i32
    "tpu.region"() ({
      %run_scoped3A_230 = tpu.sem_alloc : memref<!tpu.dma_semaphore, #tpu.memory_space<semaphore_mem>>
      %dma_start3A_231 = arith.constant 0 : i32
      %dma_start3A_232 = arith.constant 0 : i32
      %dma_start3A_233 = tpu.memref_slice %arg10[%run_scoped3A_224, %dma_start3A_231, %dma_start3A_232] : memref<2x128x128xf32, #tpu.memory_space<vmem>> -> memref<1x128x128xf32, #tpu.memory_space<vmem>>
      %dma_start3A_234 = tpu.memref_squeeze %dma_start3A_233 : memref<1x128x128xf32, #tpu.memory_space<vmem>> -> memref<128x128xf32, #tpu.memory_space<vmem>>
      %dma_start3A_235 = arith.constant 0 : i32
      %dma_start3A_236 = tpu.memref_slice %arg6[%add3A_223, %dma_start3A_235] : memref<16384x128xf32, #tpu.memory_space<hbm>> -> memref<128x128xf32, #tpu.memory_space<hbm>>
      %dma_start3A_237 = arith.constant 0 : i32
      %dma_start3A_238 = tpu.memref_slice %arg6[%add3A_223, %dma_start3A_237] : memref<16384x128xf32, #tpu.memory_space<hbm>> -> memref<128x128xf32, #tpu.memory_space<hbm>>
      %dma_start3A_239 = arith.constant 0 : i32
      %dma_start3A_240 = arith.constant 0 : i32
      %dma_start3A_241 = tpu.memref_slice %arg10[%run_scoped3A_224, %dma_start3A_239, %dma_start3A_240] : memref<2x128x128xf32, #tpu.memory_space<vmem>> -> memref<1x128x128xf32, #tpu.memory_space<vmem>>
      %dma_start3A_242 = tpu.memref_squeeze %dma_start3A_241 : memref<1x128x128xf32, #tpu.memory_space<vmem>> -> memref<128x128xf32, #tpu.memory_space<vmem>>
      tpu.enqueue_dma source(%dma_start3A_242 : memref<128x128xf32, #tpu.memory_space<vmem>>) target(%dma_start3A_238 : memref<128x128xf32, #tpu.memory_space<hbm>>) target_semaphore(%run_scoped3A_230 : memref<!tpu.dma_semaphore, #tpu.memory_space<semaphore_mem>>)
      %dma_wait3A_243 = arith.constant 0 : i32
      %dma_wait3A_244 = arith.constant 0 : i32
      %dma_wait3A_245 = tpu.memref_slice %arg10[%run_scoped3A_224, %dma_wait3A_243, %dma_wait3A_244] : memref<2x128x128xf32, #tpu.memory_space<vmem>> -> memref<1x128x128xf32, #tpu.memory_space<vmem>>
      %dma_wait3A_246 = tpu.memref_squeeze %dma_wait3A_245 : memref<1x128x128xf32, #tpu.memory_space<vmem>> -> memref<128x128xf32, #tpu.memory_space<vmem>>
      %dma_wait3A_247 = arith.constant 0 : i32
      %dma_wait3A_248 = tpu.memref_slice %arg6[%add3A_223, %dma_wait3A_247] : memref<16384x128xf32, #tpu.memory_space<hbm>> -> memref<128x128xf32, #tpu.memory_space<hbm>>
      %dma_wait3A_249 = arith.constant 0 : i32
      %dma_wait3A_250 = tpu.memref_slice %arg6[%add3A_223, %dma_wait3A_249] : memref<16384x128xf32, #tpu.memory_space<hbm>> -> memref<128x128xf32, #tpu.memory_space<hbm>>
      %dma_wait3A_251 = arith.constant 0 : i32
      %dma_wait3A_252 = arith.constant 0 : i32
      %dma_wait3A_253 = tpu.memref_slice %arg10[%run_scoped3A_224, %dma_wait3A_251, %dma_wait3A_252] : memref<2x128x128xf32, #tpu.memory_space<vmem>> -> memref<1x128x128xf32, #tpu.memory_space<vmem>>
      %dma_wait3A_254 = tpu.memref_squeeze %dma_wait3A_253 : memref<1x128x128xf32, #tpu.memory_space<vmem>> -> memref<128x128xf32, #tpu.memory_space<vmem>>
      tpu.wait_dma2 semaphore(%run_scoped3A_230 : memref<!tpu.dma_semaphore, #tpu.memory_space<semaphore_mem>>) src(%dma_wait3A_254 : memref<128x128xf32, #tpu.memory_space<vmem>>) dst(%dma_wait3A_250 : memref<128x128xf32, #tpu.memory_space<hbm>>)
      tpu.yield
    }) : () -> ()
    %mul3A_225 = arith.constant 512 : i32
    %mul3A_226 = arith.muli %add3A, %mul3A_225 : i32
    %add3A_227 = arith.constant 384 : i32
    %add3A_228 = arith.addi %mul3A_226, %add3A_227 : i32
    %run_scoped3A_229 = arith.constant 1 : i32
    "tpu.region"() ({
      %run_scoped3A_230 = tpu.sem_alloc : memref<!tpu.dma_semaphore, #tpu.memory_space<semaphore_mem>>
      %dma_start3A_231 = arith.constant 0 : i32
      %dma_start3A_232 = arith.constant 0 : i32
      %dma_start3A_233 = tpu.memref_slice %arg11[%run_scoped3A_229, %dma_start3A_231, %dma_start3A_232] : memref<2x128x128xf32, #tpu.memory_space<vmem>> -> memref<1x128x128xf32, #tpu.memory_space<vmem>>
      %dma_start3A_234 = tpu.memref_squeeze %dma_start3A_233 : memref<1x128x128xf32, #tpu.memory_space<vmem>> -> memref<128x128xf32, #tpu.memory_space<vmem>>
      %dma_start3A_235 = arith.constant 0 : i32
      %dma_start3A_236 = tpu.memref_slice %arg7[%add3A_228, %dma_start3A_235] : memref<16384x128xf32, #tpu.memory_space<hbm>> -> memref<128x128xf32, #tpu.memory_space<hbm>>
      %dma_start3A_237 = arith.constant 0 : i32
      %dma_start3A_238 = tpu.memref_slice %arg7[%add3A_228, %dma_start3A_237] : memref<16384x128xf32, #tpu.memory_space<hbm>> -> memref<128x128xf32, #tpu.memory_space<hbm>>
      %dma_start3A_239 = arith.constant 0 : i32
      %dma_start3A_240 = arith.constant 0 : i32
      %dma_start3A_241 = tpu.memref_slice %arg11[%run_scoped3A_229, %dma_start3A_239, %dma_start3A_240] : memref<2x128x128xf32, #tpu.memory_space<vmem>> -> memref<1x128x128xf32, #tpu.memory_space<vmem>>
      %dma_start3A_242 = tpu.memref_squeeze %dma_start3A_241 : memref<1x128x128xf32, #tpu.memory_space<vmem>> -> memref<128x128xf32, #tpu.memory_space<vmem>>
      tpu.enqueue_dma source(%dma_start3A_242 : memref<128x128xf32, #tpu.memory_space<vmem>>) target(%dma_start3A_238 : memref<128x128xf32, #tpu.memory_space<hbm>>) target_semaphore(%run_scoped3A_230 : memref<!tpu.dma_semaphore, #tpu.memory_space<semaphore_mem>>)
      %dma_wait3A_243 = arith.constant 0 : i32
      %dma_wait3A_244 = arith.constant 0 : i32
      %dma_wait3A_245 = tpu.memref_slice %arg11[%run_scoped3A_229, %dma_wait3A_243, %dma_wait3A_244] : memref<2x128x128xf32, #tpu.memory_space<vmem>> -> memref<1x128x128xf32, #tpu.memory_space<vmem>>
      %dma_wait3A_246 = tpu.memref_squeeze %dma_wait3A_245 : memref<1x128x128xf32, #tpu.memory_space<vmem>> -> memref<128x128xf32, #tpu.memory_space<vmem>>
      %dma_wait3A_247 = arith.constant 0 : i32
      %dma_wait3A_248 = tpu.memref_slice %arg7[%add3A_228, %dma_wait3A_247] : memref<16384x128xf32, #tpu.memory_space<hbm>> -> memref<128x128xf32, #tpu.memory_space<hbm>>
      %dma_wait3A_249 = arith.constant 0 : i32
      %dma_wait3A_250 = tpu.memref_slice %arg7[%add3A_228, %dma_wait3A_249] : memref<16384x128xf32, #tpu.memory_space<hbm>> -> memref<128x128xf32, #tpu.memory_space<hbm>>
      %dma_wait3A_251 = arith.constant 0 : i32
      %dma_wait3A_252 = arith.constant 0 : i32
      %dma_wait3A_253 = tpu.memref_slice %arg11[%run_scoped3A_229, %dma_wait3A_251, %dma_wait3A_252] : memref<2x128x128xf32, #tpu.memory_space<vmem>> -> memref<1x128x128xf32, #tpu.memory_space<vmem>>
      %dma_wait3A_254 = tpu.memref_squeeze %dma_wait3A_253 : memref<1x128x128xf32, #tpu.memory_space<vmem>> -> memref<128x128xf32, #tpu.memory_space<vmem>>
      tpu.wait_dma2 semaphore(%run_scoped3A_230 : memref<!tpu.dma_semaphore, #tpu.memory_space<semaphore_mem>>) src(%dma_wait3A_254 : memref<128x128xf32, #tpu.memory_space<vmem>>) dst(%dma_wait3A_250 : memref<128x128xf32, #tpu.memory_space<hbm>>)
      tpu.yield
    }) : () -> ()
    return
  }
}

module attributes {stable_mosaic.version = 14 : i64} {
  func.func @_k2a_body(%arg0: i32, %arg1: memref<2048x128xf32, #tpu.memory_space<vmem>>, %arg2: memref<2048x128xf32, #tpu.memory_space<vmem>>, %arg3: memref<2048x1xf32, #tpu.memory_space<vmem>>) attributes {dimension_semantics = [#tpu.dimension_semantics<arbitrary>], iteration_bounds = array<i64: 8>, scalar_prefetch = 0 : i64, scratch_operands = 0 : i64, tpu.core_type = #tpu.core_type<tc>, window_params = [{transform_indices = @transform_0, window_bounds = array<i64: 2048, 128>}, {transform_indices = @transform_1, window_bounds = array<i64: 2048, 128>}, {transform_indices = @transform_2, window_bounds = array<i64: 2048, 1>}]} {
    %get3A = arith.constant 0 : index
    %get3A_0 = arith.constant 0 : index
    %get3A_1 = vector.load %arg1[%get3A, %get3A_0] : memref<2048x128xf32, #tpu.memory_space<vmem>>, vector<2048x64xf32>
    %get3A_2 = arith.constant 0 : index
    %get3A_3 = arith.constant 0 : index
    %get3A_4 = vector.load %arg2[%get3A_2, %get3A_3] : memref<2048x128xf32, #tpu.memory_space<vmem>>, vector<2048x64xf32>
    %mul3A = arith.mulf %get3A_1, %get3A_4 : vector<2048x64xf32>
    %reduce_sum3A = arith.constant dense<0.000000e+00> : vector<2048xf32>
    %reduce_sum3A_5 = vector.multi_reduction <add>, %mul3A, %reduce_sum3A [1] : vector<2048x64xf32> to vector<2048xf32>
    %broadcast_in_dim3A = vector.shape_cast %reduce_sum3A_5 : vector<2048xf32> to vector<2048x1xf32>
    %swap3A = arith.constant 0 : index
    %swap3A_6 = arith.constant 0 : index
    %swap3A_7 = vector.load %arg3[%swap3A, %swap3A_6] : memref<2048x1xf32, #tpu.memory_space<vmem>>, vector<2048x1xf32>
    tpu.vector_store %arg3[%swap3A, %swap3A_6], %broadcast_in_dim3A {strides = array<i32>} : memref<2048x1xf32, #tpu.memory_space<vmem>>, vector<2048x1xf32>,
    return
  }
  func.func @transform_0(%arg0: i32) -> (i32, i32) {
    %c0_i32 = arith.constant 0 : i32
    %c0_i32_0 = arith.constant 0 : i32
    return %arg0, %c0_i32 : i32, i32
  }
  func.func @transform_1(%arg0: i32) -> (i32, i32) {
    %c0_i32 = arith.constant 0 : i32
    %c0_i32_0 = arith.constant 0 : i32
    return %arg0, %c0_i32 : i32, i32
  }
  func.func @transform_2(%arg0: i32) -> (i32, i32) {
    %c0_i32 = arith.constant 0 : i32
    %c0_i32_0 = arith.constant 0 : i32
    return %arg0, %c0_i32 : i32, i32
  }
}

module attributes {stable_mosaic.version = 14 : i64} {
  func.func @_k2b_body(%arg0: memref<16384x1xf32, #tpu.memory_space<vmem>>, %arg1: memref<16384x1xi32, #tpu.memory_space<vmem>>, %arg2: memref<16384x1xf32, #tpu.memory_space<vmem>>) attributes {dimension_semantics = [], scalar_prefetch = 0 : i64, scratch_operands = 0 : i64, tpu.core_type = #tpu.core_type<tc>} {
    %get3A = arith.constant 0 : index
    %get3A_0 = arith.constant 0 : index
    %get3A_1 = vector.load %arg0[%get3A, %get3A_0] : memref<16384x1xf32, #tpu.memory_space<vmem>>, vector<16384x1xf32>
    %mul3A = arith.constant 0.00999999977 : f32
    %mul3A_2 = vector.broadcast %mul3A : f32 to vector<16384x1xf32>
    %mul3A_3 = arith.mulf %get3A_1, %mul3A_2 : vector<16384x1xf32>
    %pow3A = arith.constant 7.500000e-01 : f32
    %pow3A_4 = vector.broadcast %pow3A : f32 to vector<16384x1xf32>
    %pow3A_5 = math.powf %mul3A_3, %pow3A_4 : vector<16384x1xf32>
    %reduce_sum3A = vector.shape_cast %pow3A_5 : vector<16384x1xf32> to vector<1x16384x1xf32>
    %reduce_sum3A_6 = arith.constant dense<0.000000e+00> : vector<1xf32>
    %reduce_sum3A_7 = vector.multi_reduction <add>, %reduce_sum3A, %reduce_sum3A_6 [1, 2] : vector<1x16384x1xf32> to vector<1xf32>
    %reduce_sum3A_8 = vector.shape_cast %reduce_sum3A_7 : vector<1xf32> to vector<1x1x1xf32>
    %reduce_sum3A_9 = vector.extract %reduce_sum3A_8[0, 0, 0] : f32 from vector<1x1x1xf32>
    %get3A_10 = arith.constant 0 : index
    %get3A_11 = arith.constant 0 : index
    %get3A_12 = vector.load %arg1[%get3A_10, %get3A_11] : memref<16384x1xi32, #tpu.memory_space<vmem>>, vector<16384x1xi32>
    %convert_element_type3A = arith.sitofp %get3A_12 : vector<16384x1xi32> to vector<16384x1xf32>
    %log3A = math.log %convert_element_type3A : vector<16384x1xf32>
    %sub3A = arith.subf %get3A_1, %log3A : vector<16384x1xf32>
    %mul3A_13 = arith.mulf %sub3A, %sub3A : vector<16384x1xf32>
    %mul3A_14 = vector.broadcast %reduce_sum3A_9 : f32 to vector<16384x1xf32>
    %mul3A_15 = arith.mulf %mul3A_14, %mul3A_13 : vector<16384x1xf32>
    %swap3A = arith.constant 0 : index
    %swap3A_16 = arith.constant 0 : index
    %swap3A_17 = vector.load %arg2[%swap3A, %swap3A_16] : memref<16384x1xf32, #tpu.memory_space<vmem>>, vector<16384x1xf32>
    tpu.vector_store %arg2[%swap3A, %swap3A_16], %mul3A_15 {strides = array<i32>} : memref<16384x1xf32, #tpu.memory_space<vmem>>, vector<16384x1xf32>,
    return
  }
}

</mosaic_0001>

<sc_bundles>
// kernel: kernel.5.cloned.1.call-start
scs
__scs_entry_jumppad:
0x0: {  	(pc) =	sbr.rel $0x88, $3  }
0x1: {  	(tag) =	ssettag $0x0;
	lr =	simm.s32 $0x1  }
0x2: {  	[smem:$0x3F9C] =	sst lr;
	_ =	strace $0xD0000000  }
0x3: {  	_ = 	snop  }
0x4: {  	_ = 	snop  }
0x5: {  	_ = 	snop  }
0x6: {  	_ = 	snop  }
0x7: {  	_ = 	snop  }
__scs_overlays_trampoline_lowered:
0x8: {  	[smem:$0x3FAB] =	sst s0  }
0x9: {  	[smem:$0x3FAC] =	sst s1  }
0xa: {  	[smem:$0x3FAD] =	sst s2  }
0xb: {  	[smem:$0x3FAE] =	sst s3  }
0xc: {  	[smem:$0x3FAF] =	sst s4  }
0xd: {  	[smem:$0x3FB0] =	sst s5  }
0xe: {  	[smem:$0x3FB1] =	sst s6  }
0xf: {  	[smem:$0x3FB2] =	sst s7  }
0x10: {  	[smem:$0x3FB3] =	sst s8  }
0x11: {  	[smem:$0x3FB4] =	sst s9;
	s0 =	simm.s32 @!p0 $0x0  }
0x12: {  	s1 =	sld [smem:$0x3F9A];
	s0 =	simm.s32 @p0 $0x1  }
0x13: {  	[smem:$0x3FB5] =	sst s0;
	s0 =	simm.s32 @!p1 $0x0  }
0x14: {  	s2 =	sld [smem:$0x3F99];
	s0 =	simm.s32 @p1 $0x1  }
0x15: {  	[smem:$0x3FB6] =	sst s0;
	s0 =	simm.s32 @!p2 $0x0  }
0x16: {  	s3 =	sld [smem:$0x3FDB];
	s0 =	simm.s32 @p2 $0x1  }
0x17: {  	s4 =	simm.s32 $0x1BF5;
	[smem:$0x3FB8] =	sst s0  }
0x18: {  	s0 =	sld [smem:$0x3F9B];
	_ =	swait.ge [sflag:s4], $0x0  }
0x19: {  	s7 =	sld [smem:$0x3F9C]  }
0x1a: {  	s8 =	sadd.s32 $0xFFFFE003, lr  }
0x1b: {  	s9 =	sadd.s32 $0xFFFFFEF7, lr;
	s5 =	simm.s32 $0xFFFFFFFF;
	p2 =	slt.u32 s8, $0xFFFFF086  }
0x1c: {  	p1 =	slt.u32 s9, $0xF7A;
	s5 =	simm.s32 @!p2 $0x0  }
0x1d: {  	s5 =	simm.s32 @p1 $0x1;
	p0 =	seq.s32 s7, s2  }
0x1e: {  	s7 =	smul.u32 @!p0 $0xF7A, s2;
	p2 =	seq.s32 @!p0 s5, $0x0  }
0x1f: {  	s9 =	smul.u32 $0xF7A, s1;
	s8 =	simm.s32 @!p0 $0x1BF5;
	p2 =	por !p2, p0  }
0x20: {  	[sflag:s8] =	ssyncset.s32 @!p0 $0xFFFFF086;
	s6 =	sadd.s32 @!p0 s3, s7;
	s7 =	simm.s32 @!p0 $0x108  }
0x21: {  	s3 =	sadd.s32 s3, s9;
	s6 =	sadd.s32 @!p0 $0x88, s6;
	s7 =	simm.s32 @p2 $0x1082  }
0x22: {  	[simem:s7], [sflag:s8] =	dma.local @!p0 [hbm:s6], $0xF7A  }
0x23: {  	s9 =	sor.u32 $0xD0000000, s2;
	s6 =	simm.s32 $0x108;
	_ =	swait.ge @!p0 [sflag:s8], $0x0  }
0x24: {  	s3 =	sadd.s32 $0x88, s3;
	s6 =	simm.s32 @!p1 $0x1082;
	[sflag:s4] =	ssyncset.s32 $0xFFFFF086  }
0x25: {  	[simem:s6], [sflag:s4] =	dma.local [hbm:s3], $0xF7A  }
0x26: {  	[smem:$0x3F9C] =	sst s1;
	(tag) =	ssettag s2;
	_ =	strace s9  }
0x27: {  	s1 =	sld [smem:$0x3FAC]  }
0x28: {  	s2 =	sld [smem:$0x3FAD]  }
0x29: {  	s4 =	sld [smem:$0x3FAF]  }
0x2a: {  	p0 =	seq.s32 s5, $0x0;
	s5 =	sld [smem:$0x3FB0]  }
0x2b: {  	s6 =	sld [smem:$0x3FB1]  }
0x2c: {  	s7 =	sld [smem:$0x3FB2]  }
0x2d: {  	s3 =	simm.s32 $0x108;
	s8 =	sld [smem:$0x3FB3]  }
0x2e: {  	s3 =	simm.s32 @!p0 $0x1082;
	s9 =	sld [smem:$0x3FB4]  }
0x2f: {  	lr =	sadd.s32 s0, s3;
	s0 =	sld [smem:$0x3FAB]  }
0x30: {  	s3 =	sld [smem:$0x3FAE]  }
0x31: {  	[smem:$0x3FB7] =	sst s10  }
0x32: {  	s10 =	sld [smem:$0x3FB5];
	_ =	sdelay $0x3  }
0x33: {  	p0 =	seq.s32 s10, $0x1;
	s10 =	sld [smem:$0x3FB7];
	_ =	sdelay $0x3  }
0x34: {  	[smem:$0x3FB7] =	sst s10  }
0x35: {  	s10 =	sld [smem:$0x3FB6];
	_ =	sdelay $0x3  }
0x36: {  	p1 =	seq.s32 s10, $0x1;
	s10 =	sld [smem:$0x3FB7];
	_ =	sdelay $0x3  }
0x37: {  	[smem:$0x3FB7] =	sst s10  }
0x38: {  	s10 =	sld [smem:$0x3FB8]  }
0x39: {  	_ = 	snop;
	(pc) =	sbr.ind lr, $3  }
0x3a: {  	_ = 	snop  }
0x3b: {  	_ = 	snop  }
0x3c: {  	p2 =	seq.s32 s10, $0x1;
	s10 =	sld [smem:$0x3FB7]  }
0x3d: {  	_ =	shalt  }
0x3e: {  	_ =	shalt  }
0x3f: {  	_ =	shalt  }
0x40: {  	_ =	shalt  }
0x41: {  	_ =	shalt  }
0x42: {  	_ =	shalt  }
0x43: {  	_ =	shalt  }
0x44: {  	_ =	shalt  }
0x45: {  	_ =	shalt  }
0x46: {  	_ =	shalt  }
0x47: {  	_ =	shalt  }
0x48: {  	_ =	shalt  }
0x49: {  	_ =	shalt  }
0x4a: {  	_ =	shalt  }
0x4b: {  	_ =	shalt  }
0x4c: {  	_ =	shalt  }
0x4d: {  	_ =	shalt  }
0x4e: {  	_ =	shalt  }
0x4f: {  	_ =	shalt  }
0x50: {  	_ =	shalt  }
0x51: {  	_ =	shalt  }
0x52: {  	_ =	shalt  }
0x53: {  	_ =	shalt  }
0x54: {  	_ =	shalt  }
0x55: {  	_ =	shalt  }
0x56: {  	_ =	shalt  }
0x57: {  	_ =	shalt  }
0x58: {  	_ =	shalt  }
0x59: {  	_ =	shalt  }
0x5a: {  	_ =	shalt  }
0x5b: {  	_ =	shalt  }
0x5c: {  	_ =	shalt  }
0x5d: {  	_ =	shalt  }
0x5e: {  	_ =	shalt  }
0x5f: {  	_ =	shalt  }
0x60: {  	_ =	shalt  }
0x61: {  	_ =	shalt  }
0x62: {  	_ =	shalt  }
0x63: {  	_ =	shalt  }
0x64: {  	_ =	shalt  }
0x65: {  	_ =	shalt  }
0x66: {  	_ =	shalt  }
0x67: {  	_ =	shalt  }
0x68: {  	_ =	shalt  }
0x69: {  	_ =	shalt  }
0x6a: {  	_ =	shalt  }
0x6b: {  	_ =	shalt  }
0x6c: {  	_ =	shalt  }
0x6d: {  	_ =	shalt  }
0x6e: {  	_ =	shalt  }
0x6f: {  	_ =	shalt  }
0x70: {  	_ =	shalt  }
0x71: {  	_ =	shalt  }
0x72: {  	_ =	shalt  }
0x73: {  	_ =	shalt  }
0x74: {  	_ =	shalt  }
0x75: {  	_ =	shalt  }
0x76: {  	_ =	shalt  }
0x77: {  	_ =	shalt  }
0x78: {  	_ =	shalt  }
0x79: {  	_ =	shalt  }
0x7a: {  	_ =	shalt  }
0x7b: {  	_ =	shalt  }
0x7c: {  	_ =	shalt  }
0x7d: {  	_ =	shalt  }
0x7e: {  	_ =	shalt  }
0x7f: {  	_ =	shalt  }
0x80: {  	_ =	shalt  }
0x81: {  	_ =	shalt  }
0x82: {  	_ =	shalt  }
0x83: {  	_ =	shalt  }
0x84: {  	_ =	shalt  }
0x85: {  	_ =	shalt  }
0x86: {  	_ =	shalt  }
0x87: {  	_ =	shalt  }
.Lfunc_end0:
.L_simem_size_0:
called_computation_lowered:
.L_overlay_start_0:
0x88: {  	s2 =	sld [smem:$0x3FD9]  }
0x89: {  	s3 =	sld [smem:$0x3FFE];
	_ =	sdelay $0x1  }
0x8a: {  	s1 =	srdreg.scid  }
0x8b: {  	s0 =	sand.u32 $0x1, s1  }
0x8c: {  	s17 =	sshll.u32 s0, $0xA;
	s2 =	sadd.s32 s3, s2  }
0x8d: {  	s2 =	sadd.s32 s2, s17  }
0x8e: {  	[smem:$0x3FC3] =	sst s2  }
0x8f: {  	_ = 	snop  }
0x90: {  	s2 =	sld [smem:$0x3FC9]  }
0x91: {  	s18 =	sld [smem:$0x3FC8];
	(tm) =	ssettm $0x1  }
0x92: {  	s4 =	sld [smem:$0x3FFB];
	_ =	sdelay $0x3  }
0x93: {  	_ =	strace s4  }
0x94: {  	s4 =	sld [smem:$0x3FFC];
	_ =	sdelay $0x3  }
0x95: {  	_ =	strace s4  }
0x96: {  	s4 =	sld [smem:$0x3FFD];
	_ =	sdelay $0x3  }
0x97: {  	_ =	strace s4  }
0x98: {  	_ =	strace $0x8FFFFFFF  }
0x99: {  	s19 =	sld [smem:$0x3FDB];
	_ =	sdelay $0x1  }
0x9a: {  	s5 =	simm.s32 $_scs_section_size  }
0x9b: {  	s6 =	simm.s32 $_size__tile_overlayer_lowered;
	s7 =	simm.s32 $_tile_overlayer_lowered  }
0x9c: {  	s22 =	simm.s32 $0x1BFF;
	s21 =	sshll.u32 s7, $0x1;
	s4 =	sadd.s32 s5, s19  }
0x9d: {  	s8 =	simm.s32 $0x0;
	s20 =	sshll.u32 s6, $0x1;
	s6 =	sadd.s32 s21, s4  }
0x9e: {  	[timem:s8], [sflag:s22] =	dma.local [hbm:s6], s20  }
0x9f: {  	_ =	swait.ge [sflag:s22], s20  }
0xa0: {  	s5 =	ssub.s32 $0x0, s20;
	[sflag:s22] =	ssyncset.done $0x0  }
0xa1: {  	[sflag:s22] =	ssyncadd.s32 s5;
	_ =	sdelay $0x1  }
0xa2: {  	s23 =	simm.s32 $0x1B8B  }
0xa3: {  	_ =	swait.ge [sflag:s23], $0x1  }
0xa4: {  	[sflag:s23] =	ssyncset.done $0x0  }
0xa5: {  	s25 =	simm.s32 $0x1B8E;
	s24 =	sld [smem:$0x3FFE];
	[sflag:s23] =	ssyncadd.s32 $0xFFFFFFFF  }
0xa6: {  	s26 =	simm.s32 $execute0_lowered;
	[smem:$0x3FD2] =	sst s25  }
0xa7: {  	s6 =	sshll.u32 s26, $0x1;
	_ =	strace $0x80000046;
	[dreg:$0x1] =	wrdreg $0xFFFFFFFF  }
0xa8: {  	s28 =	simm.s32 $_size_execute0_lowered;
	s4 =	sadd.s32 s4, s6;
	[dreg:$0x0] =	wrdreg $0x0  }
0xa9: {  	s6 =	sshll.u32 s28, $0x1;
	[dreg:$0x2] =	wrdreg s4  }
0xaa: {  	[dreg:$0x3] =	wrdreg s6  }
0xab: {  	[dreg:$0x4] =	wrdreg $0xC0  }
0xac: {  	_ =	task [dreg:s8], $0x5FFFF  }
0xad: {  	[dreg:$0x1] =	wrdreg $0xFFFFFFFF  }
0xae: {  	[dreg:$0x0] =	wrdreg $0x60  }
0xaf: {  	[dreg:$0x2] =	wrdreg s2  }
0xb0: {  	[dreg:$0x3] =	wrdreg s18  }
0xb1: {  	[dreg:$0x4] =	wrdreg s24  }
0xb2: {  	[dreg:$0x5] =	wrdreg $0x9  }
0xb3: {  	_ =	task.clear_ibuf [dreg:s8], $0x6FFFF;
	_ =	strace $0x90000046  }
0xb4: {  	s29 =	simm.s32 $0x9;
	_ =	strace $0x80000048  }
0xb5: {  	_ =	swait.ge [sflag:s29], $0x1  }
0xb6: {  	[sflag:s29] =	ssyncadd.s32 $0xFFFFFFFF  }
0xb7: {  	_ =	strace $0x90000048  }
0xb8: {  	_ =	sfence  }
0xb9: {  	s30 =	sld [smem:$0x0];
	_ =	sdelay $0x2  }
0xba: {  	s31 =	sshll.u32 s1, $0xD;
	s1 =	sshrl.u32 s1, $0x2  }
0xbb: {  	s3 =	sand.u32 $0x4000, s31;
	s1 =	sadd.s32 s1, s30  }
0xbc: {  	s0 =	sor.u32 s3, s0;
	s1 =	sshll.u32 s1, $0x11  }
0xbd: {  	s0 =	sor.u32 s1, s0  }
0xbe: {  	s0 =	sadd.s32 $0x8F2B, s0  }
0xbf: {  	[sflag:s0] =	ssyncadd.remote.s32 $0x1  }
0xc0: {  	_ =	sfence.sel $0xFFFF  }
0xc1: {  	[dreg:$0x0] =	wrdreg $0xFFFFFFFF;
	(pc) =	sbr.abs _section_cstart, $3  }
0xc2: {  	[dreg:$0x1] =	wrdreg $0xFFFFFFFF  }
0xc3: {  	_ =	task.clear_ibuf [dreg:s8], $0x2FFFF;
	_ =	strace $0x9FFFFFFF  }
0xc4: {  	(tm) =	ssettm $0x7FFFFFFF  }
0xc5: {  	_ =	shalt  }
tec
execute0_lowered:
.L_overlay_start_1:
0x0: {  	(tag) =	ssettag $0x1  }
0x1: {  	s3 =	rddreg [dreg:$0x0];
	s1 =	srdreg.scid  }
0x2: {  	s5 =	rddreg [dreg:$0x1];
	s0 =	stileid.u32;
	s26 =	sand.u32 $0x1, s1  }
0x3: {  	s17 =	rddreg [dreg:$0x2];
	s4 =	sshll.u32 s0, $0xA;
	s6 =	sshll.u32 s26, $0x9  }
0x4: {  	s2 =	simm.s32 $0x0;
	s1 =	rddreg [dreg:$0x3];
	s16 =	sor.u32 s6, s4  }
0x5: {  	[smem:$0x7FF] =	sst s2;
	s6 =	sshrl.u32 s16, $0x3  }
0x6: {  	_ =	strace $0x80000047;
	s4 =	sadd.s32 s3, s6;
	s3 =	simm.s32 $0x2  }
0x7: {  	[tilespmem:s2], [sflag:$0x2] =	stream.linear.gather [hbm4b:s4+s2], $0x200, $0x38;
	[tilespmem:$0x10400] =	vst v63  }
0x8: {  	_ =	swait.ge [sflag:s3], $0x200  }
0x9: {  	[sflag:s3] =	ssyncset.done $0x0  }
0xa: {  	s5 =	sadd.s32 s5, s6;
	s6 =	simm.s32 $0x200;
	[sflag:s3] =	ssyncadd.s32 $0xFFFFFE00  }
0xb: {  	[tilespmem:s6], [sflag:$0x2] =	stream.linear.gather [hbm4b:s5+s2], $0x200, $0x38;
	[tilespmem:$0x10400] =	vst v63  }
0xc: {  	_ =	swait.ge [sflag:s3], $0x200  }
0xd: {  	s8 =	simm.s32 $0x80;
	[sflag:s3] =	ssyncset.done $0x0  }
0xe: {  	s9 =	simm.s32 $0x400;
	s7 =	sadd.s32 $0x1E85400, s17;
	[sflag:s3] =	ssyncadd.s32 $0xFFFFFE00  }
0xf: {  	[tilespmem:s9], [sflag:$0x1] =	stream.indirect.gather [hbm4b:s7+s8], $0x80, s2, s8, $0xb8;
	[tilespmem:$0x10400] =	vst v63  }
0x10: {  	s11 =	simm.s32 $0x8400;
	s10 =	sadd.s32 $0xC00, s17  }
0x11: {  	[tilespmem:s11], [sflag:$0x1] =	stream.indirect.gather [hbm4b:s10+s8], $0x80, s6, s8, $0xb8;
	[tilespmem:$0x10400] =	vst v63  }
0x12: {  	s12 =	simm.s32 $0x4400  }
0x13: {  	[tilespmem:s12], [sflag:$0x1] =	stream.indirect.gather [hbm4b:s7+s8], $0x80, s8, s8, $0xb8;
	[tilespmem:$0x10400] =	vst v63  }
0x14: {  	s13 =	simm.s32 $0x280;
	s14 =	simm.s32 $0xC400;
	s15 =	simm.s32 $0x1  }
0x15: {  	[tilespmem:s14], [sflag:$0x1] =	stream.indirect.gather [hbm4b:s10+s8], $0x80, s13, s8, $0xb8;
	[tilespmem:$0x10400] =	vst v63  }
0x16: {  	_ =	swait.ge [sflag:s15], $0x4000  }
0x17: {  	[sflag:s15] =	ssyncset.done $0x0  }
0x18: {  	[sflag:s15] =	ssyncadd.s32 $0xFFFFC000  }
0x19: {  	_ =	swait.ge [sflag:s15], $0x4000  }
0x1a: {  	s28 =	sadd.s32 $0xF43000, s17;
	s30 =	sshll.u32 s16, $0x4;
	[sflag:s15] =	ssyncset.done $0x0  }
0x1b: {  	s16 =	sadd.s32 s28, s30;
	[sflag:s15] =	ssyncadd.s32 $0xFFFFC000  }
0x1c: {  	[hbm4b:s16+s2] =	stream.linear.scatter [tilespmem:s9], [sflag:$0x2], $0x4000, $0x38;
	[tilespmem:$0x10400] =	vst v63  }
0x1d: {  	_ =	swait.ge [sflag:s3], $0x4000  }
0x1e: {  	s29 =	sadd.s32 $0xF83000, s17;
	[sflag:s3] =	ssyncset.done $0x0  }
0x1f: {  	s17 =	sadd.s32 s29, s30;
	[sflag:s3] =	ssyncadd.s32 $0xFFFFC000  }
0x20: {  	[hbm4b:s17+s2] =	stream.linear.scatter [tilespmem:s11], [sflag:$0x2], $0x4000, $0x38;
	[tilespmem:$0x10400] =	vst v63  }
0x21: {  	_ =	swait.ge [sflag:s3], $0x4000  }
0x22: {  	[sflag:s3] =	ssyncset.done $0x0  }
0x23: {  	s18 =	simm.s32 $0x100;
	[sflag:s3] =	ssyncadd.s32 $0xFFFFC000  }
0x24: {  	[tilespmem:s9], [sflag:$0x1] =	stream.indirect.gather [hbm4b:s7+s8], $0x80, s18, s8, $0xb8;
	[tilespmem:$0x10400] =	vst v63  }
0x25: {  	s19 =	simm.s32 $0x300  }
0x26: {  	[tilespmem:s11], [sflag:$0x1] =	stream.indirect.gather [hbm4b:s10+s8], $0x80, s19, s8, $0xb8;
	[tilespmem:$0x10400] =	vst v63  }
0x27: {  	_ =	swait.ge [sflag:s15], $0x4000  }
0x28: {  	[sflag:s15] =	ssyncset.done $0x0  }
0x29: {  	[sflag:s15] =	ssyncadd.s32 $0xFFFFC000  }
0x2a: {  	_ =	swait.ge [sflag:s15], $0x4000  }
0x2b: {  	s21 =	sor.u32 $0x800, s30;
	[sflag:s15] =	ssyncset.done $0x0  }
0x2c: {  	s20 =	sadd.s32 s28, s21;
	[sflag:s15] =	ssyncadd.s32 $0xFFFFC000  }
0x2d: {  	[hbm4b:s20+s2] =	stream.linear.scatter [tilespmem:s12], [sflag:$0x2], $0x4000, $0x38;
	[tilespmem:$0x10400] =	vst v63  }
0x2e: {  	_ =	swait.ge [sflag:s3], $0x4000  }
0x2f: {  	[sflag:s3] =	ssyncset.done $0x0  }
0x30: {  	s21 =	sadd.s32 s29, s21;
	[sflag:s3] =	ssyncadd.s32 $0xFFFFC000  }
0x31: {  	[hbm4b:s21+s2] =	stream.linear.scatter [tilespmem:s14], [sflag:$0x2], $0x4000, $0x38;
	[tilespmem:$0x10400] =	vst v63  }
0x32: {  	_ =	swait.ge [sflag:s3], $0x4000  }
0x33: {  	[sflag:s3] =	ssyncset.done $0x0  }
0x34: {  	s22 =	simm.s32 $0x180;
	[sflag:s3] =	ssyncadd.s32 $0xFFFFC000  }
0x35: {  	[tilespmem:s12], [sflag:$0x1] =	stream.indirect.gather [hbm4b:s7+s8], $0x80, s22, s8, $0xb8;
	[tilespmem:$0x10400] =	vst v63  }
0x36: {  	s23 =	simm.s32 $0x380  }
0x37: {  	[tilespmem:s14], [sflag:$0x1] =	stream.indirect.gather [hbm4b:s10+s8], $0x80, s23, s8, $0xb8;
	[tilespmem:$0x10400] =	vst v63  }
0x38: {  	_ =	swait.ge [sflag:s15], $0x4000  }
0x39: {  	[sflag:s15] =	ssyncset.done $0x0  }
0x3a: {  	[sflag:s15] =	ssyncadd.s32 $0xFFFFC000  }
0x3b: {  	_ =	swait.ge [sflag:s15], $0x4000  }
0x3c: {  	s25 =	sor.u32 $0x1000, s30;
	[sflag:s15] =	ssyncset.done $0x0  }
0x3d: {  	s24 =	sadd.s32 s28, s25;
	[sflag:s15] =	ssyncadd.s32 $0xFFFFC000  }
0x3e: {  	[hbm4b:s24+s2] =	stream.linear.scatter [tilespmem:s9], [sflag:$0x2], $0x4000, $0x38;
	[tilespmem:$0x10400] =	vst v63  }
0x3f: {  	_ =	swait.ge [sflag:s3], $0x4000  }
0x40: {  	[sflag:s3] =	ssyncset.done $0x0  }
0x41: {  	s25 =	sadd.s32 s29, s25;
	[sflag:s3] =	ssyncadd.s32 $0xFFFFC000  }
0x42: {  	[hbm4b:s25+s2] =	stream.linear.scatter [tilespmem:s11], [sflag:$0x2], $0x4000, $0x38;
	[tilespmem:$0x10400] =	vst v63  }
0x43: {  	_ =	swait.ge [sflag:s3], $0x4000  }
0x44: {  	[sflag:s3] =	ssyncset.done $0x0  }
0x45: {  	[sflag:s3] =	ssyncadd.s32 $0xFFFFC000  }
0x46: {  	_ =	swait.ge [sflag:s15], $0x4000  }
0x47: {  	[sflag:s15] =	ssyncset.done $0x0  }
0x48: {  	s31 =	ssub.s32 $0x2, s26;
	s30 =	sor.u32 $0x1800, s30;
	[sflag:s15] =	ssyncadd.s32 $0xFFFFC000  }
0x49: {  	s26 =	sadd.s32 s28, s30;
	s28 =	sshrl.u32 s31, $0x1;
	_ =	swait.ge [sflag:s15], $0x4000  }
0x4a: {  	s31 =	ssub.s32 s31, s28;
	[sflag:s15] =	ssyncset.done $0x0  }
0x4b: {  	s28 =	sadd.s32 s29, s30;
	s29 =	smax.u32 s31, $0x1;
	[sflag:s15] =	ssyncadd.s32 $0xFFFFC000  }
0x4c: {  	[hbm4b:s26+s2] =	stream.linear.scatter [tilespmem:s12], [sflag:$0x2], $0x4000, $0x38;
	[tilespmem:$0x10400] =	vst v63  }
0x4d: {  	p0 =	sne.s32 s29, $0x1;
	_ =	swait.ge [sflag:s3], $0x4000  }
.Ltmp0:
0x4e: {  	[sflag:s3] =	ssyncset.done $0x0;
	(pc) =	sbr.rel @!p0 .LBB2_2-.Ltmp0, $4  }
0x4f: {  	[sflag:s3] =	ssyncadd.s32 $0xFFFFC000  }
0x50: {  	[hbm4b:s28+s2] =	stream.linear.scatter [tilespmem:s14], [sflag:$0x2], $0x4000, $0x38;
	[tilespmem:$0x10400] =	vst v63  }
0x51: {  	_ =	swait.ge [sflag:s3], $0x4000  }
0x52: {  	s29 =	sadd.s32 $0xFFFFFFFF, s29;
	[sflag:s3] =	ssyncset.done $0x0  }
.LBB2_1:
0x53: {  	p0 =	sne.s32 s29, $0x1;
	s29 =	sadd.s32 $0xFFFFFFFF, s29;
	[sflag:s3] =	ssyncadd.s32 $0xFFFFC000  }
0x54: {  	[tilespmem:s2], [sflag:$0x2] =	stream.linear.gather [hbm4b:s4+s2], $0x200, $0x38;
	[tilespmem:$0x10400] =	vst v63  }
0x55: {  	_ =	swait.ge [sflag:s3], $0x200  }
0x56: {  	[sflag:s3] =	ssyncset.done $0x0  }
0x57: {  	[sflag:s3] =	ssyncadd.s32 $0xFFFFFE00  }
0x58: {  	[tilespmem:s6], [sflag:$0x2] =	stream.linear.gather [hbm4b:s5+s2], $0x200, $0x38;
	[tilespmem:$0x10400] =	vst v63  }
0x59: {  	_ =	swait.ge [sflag:s3], $0x200  }
0x5a: {  	[sflag:s3] =	ssyncset.done $0x0  }
0x5b: {  	[sflag:s3] =	ssyncadd.s32 $0xFFFFFE00  }
0x5c: {  	[tilespmem:s9], [sflag:$0x1] =	stream.indirect.gather [hbm4b:s7+s8], $0x80, s2, s8, $0xb8;
	[tilespmem:$0x10400] =	vst v63  }
0x5d: {  	_ = 	snop  }
0x5e: {  	[tilespmem:s11], [sflag:$0x1] =	stream.indirect.gather [hbm4b:s10+s8], $0x80, s6, s8, $0xb8;
	[tilespmem:$0x10400] =	vst v63  }
0x5f: {  	_ = 	snop  }
0x60: {  	[tilespmem:s12], [sflag:$0x1] =	stream.indirect.gather [hbm4b:s7+s8], $0x80, s8, s8, $0xb8;
	[tilespmem:$0x10400] =	vst v63  }
0x61: {  	_ = 	snop  }
0x62: {  	[tilespmem:s14], [sflag:$0x1] =	stream.indirect.gather [hbm4b:s10+s8], $0x80, s13, s8, $0xb8;
	[tilespmem:$0x10400] =	vst v63  }
0x63: {  	_ =	swait.ge [sflag:s15], $0x4000  }
0x64: {  	[sflag:s15] =	ssyncset.done $0x0  }
0x65: {  	[sflag:s15] =	ssyncadd.s32 $0xFFFFC000  }
0x66: {  	_ =	swait.ge [sflag:s15], $0x4000  }
0x67: {  	[sflag:s15] =	ssyncset.done $0x0  }
0x68: {  	[sflag:s15] =	ssyncadd.s32 $0xFFFFC000  }
0x69: {  	[hbm4b:s16+s2] =	stream.linear.scatter [tilespmem:s9], [sflag:$0x2], $0x4000, $0x38;
	[tilespmem:$0x10400] =	vst v63  }
0x6a: {  	_ =	swait.ge [sflag:s3], $0x4000  }
0x6b: {  	[sflag:s3] =	ssyncset.done $0x0  }
0x6c: {  	[sflag:s3] =	ssyncadd.s32 $0xFFFFC000  }
0x6d: {  	[hbm4b:s17+s2] =	stream.linear.scatter [tilespmem:s11], [sflag:$0x2], $0x4000, $0x38;
	[tilespmem:$0x10400] =	vst v63  }
0x6e: {  	_ =	swait.ge [sflag:s3], $0x4000  }
0x6f: {  	[sflag:s3] =	ssyncset.done $0x0  }
0x70: {  	[sflag:s3] =	ssyncadd.s32 $0xFFFFC000  }
0x71: {  	[tilespmem:s9], [sflag:$0x1] =	stream.indirect.gather [hbm4b:s7+s8], $0x80, s18, s8, $0xb8;
	[tilespmem:$0x10400] =	vst v63  }
0x72: {  	_ = 	snop  }
0x73: {  	[tilespmem:s11], [sflag:$0x1] =	stream.indirect.gather [hbm4b:s10+s8], $0x80, s19, s8, $0xb8;
	[tilespmem:$0x10400] =	vst v63  }
0x74: {  	_ =	swait.ge [sflag:s15], $0x4000  }
0x75: {  	[sflag:s15] =	ssyncset.done $0x0  }
0x76: {  	[sflag:s15] =	ssyncadd.s32 $0xFFFFC000  }
0x77: {  	_ =	swait.ge [sflag:s15], $0x4000  }
0x78: {  	[sflag:s15] =	ssyncset.done $0x0  }
0x79: {  	[sflag:s15] =	ssyncadd.s32 $0xFFFFC000  }
0x7a: {  	[hbm4b:s20+s2] =	stream.linear.scatter [tilespmem:s12], [sflag:$0x2], $0x4000, $0x38;
	[tilespmem:$0x10400] =	vst v63  }
0x7b: {  	_ =	swait.ge [sflag:s3], $0x4000  }
0x7c: {  	[sflag:s3] =	ssyncset.done $0x0  }
0x7d: {  	[sflag:s3] =	ssyncadd.s32 $0xFFFFC000  }
0x7e: {  	[hbm4b:s21+s2] =	stream.linear.scatter [tilespmem:s14], [sflag:$0x2], $0x4000, $0x38;
	[tilespmem:$0x10400] =	vst v63  }
0x7f: {  	_ =	swait.ge [sflag:s3], $0x4000  }
0x80: {  	[sflag:s3] =	ssyncset.done $0x0  }
0x81: {  	[sflag:s3] =	ssyncadd.s32 $0xFFFFC000  }
0x82: {  	[tilespmem:s12], [sflag:$0x1] =	stream.indirect.gather [hbm4b:s7+s8], $0x80, s22, s8, $0xb8;
	[tilespmem:$0x10400] =	vst v63  }
0x83: {  	_ = 	snop  }
0x84: {  	[tilespmem:s14], [sflag:$0x1] =	stream.indirect.gather [hbm4b:s10+s8], $0x80, s23, s8, $0xb8;
	[tilespmem:$0x10400] =	vst v63  }
0x85: {  	_ =	swait.ge [sflag:s15], $0x4000  }
0x86: {  	[sflag:s15] =	ssyncset.done $0x0  }
0x87: {  	[sflag:s15] =	ssyncadd.s32 $0xFFFFC000  }
0x88: {  	_ =	swait.ge [sflag:s15], $0x4000  }
0x89: {  	[sflag:s15] =	ssyncset.done $0x0  }
0x8a: {  	[sflag:s15] =	ssyncadd.s32 $0xFFFFC000  }
0x8b: {  	[hbm4b:s24+s2] =	stream.linear.scatter [tilespmem:s9], [sflag:$0x2], $0x4000, $0x38;
	[tilespmem:$0x10400] =	vst v63  }
0x8c: {  	_ =	swait.ge [sflag:s3], $0x4000  }
0x8d: {  	[sflag:s3] =	ssyncset.done $0x0  }
0x8e: {  	[sflag:s3] =	ssyncadd.s32 $0xFFFFC000  }
0x8f: {  	[hbm4b:s25+s2] =	stream.linear.scatter [tilespmem:s11], [sflag:$0x2], $0x4000, $0x38;
	[tilespmem:$0x10400] =	vst v63  }
0x90: {  	_ =	swait.ge [sflag:s3], $0x4000  }
0x91: {  	[sflag:s3] =	ssyncset.done $0x0  }
0x92: {  	[sflag:s3] =	ssyncadd.s32 $0xFFFFC000  }
0x93: {  	_ =	swait.ge [sflag:s15], $0x4000  }
0x94: {  	[sflag:s15] =	ssyncset.done $0x0  }
0x95: {  	[sflag:s15] =	ssyncadd.s32 $0xFFFFC000  }
0x96: {  	_ =	swait.ge [sflag:s15], $0x4000  }
0x97: {  	[sflag:s15] =	ssyncset.done $0x0  }
0x98: {  	[sflag:s15] =	ssyncadd.s32 $0xFFFFC000  }
0x99: {  	[hbm4b:s26+s2] =	stream.linear.scatter [tilespmem:s12], [sflag:$0x2], $0x4000, $0x38;
	[tilespmem:$0x10400] =	vst v63  }
0x9a: {  	_ =	swait.ge [sflag:s3], $0x4000  }
.Ltmp1:
0x9b: {  	[sflag:s3] =	ssyncset.done $0x0;
	(pc) =	sbr.rel @p0 .LBB2_1-.Ltmp1, $4  }
0x9c: {  	[sflag:s3] =	ssyncadd.s32 $0xFFFFC000  }
0x9d: {  	[hbm4b:s28+s2] =	stream.linear.scatter [tilespmem:s14], [sflag:$0x2], $0x4000, $0x38;
	[tilespmem:$0x10400] =	vst v63  }
0x9e: {  	_ =	swait.ge [sflag:s3], $0x4000  }
0x9f: {  	[sflag:s3] =	ssyncset.done $0x0  }
.LBB2_2:
0xa0: {  	[sflag:s3] =	ssyncadd.s32 $0xFFFFC000  }
0xa1: {  	_ =	sfence.sel $0x180000  }
0xa2: {  	[bflag:$0x0] =	sbarrier.arrive $0xFFFF  }
0xa3: {  	p0 =	sne.s32 s0, $0x0;
	_ =	strace $0x90000047  }
0xa4: {  	s0 =	sadd.s32 @!p0 $0x100000, s1;
	[bflag:$0x2] =	sbarrier.arrive $0xFFFF  }
0xa5: {  	[sflag:s0] =	ssyncadd.tile.s32 @!p0 $0x1;
	_ =	shalt  }
.Lfunc_end2:
_tile_overlayer_lowered:
.L_overlay_start_2:
0xa6: {  	(tag) =	ssettag $0x2  }
0xa7: {  	s0 =	rddreg [dreg:$0x0];
	s2 =	stileid.u32  }
0xa8: {  	s1 =	rddreg [dreg:$0x1];
	p0 =	sne.s32 s2, $0x0  }
0xa9: {  	s3 =	rddreg [dreg:$0x2];
	[bflag:$0x3] =	sbarrier.arrive $0xFFFF;
	s2 =	simm.s32 @!p0 $0x1C02  }
0xaa: {  	[timem:s3], [sflag:s2] =	dma.local @!p0 [hbm:s0], s1  }
0xab: {  	s0 =	simm.s32 @!p0 $0x2  }
0xac: {  	_ =	swait.ge @!p0 [sflag:s0], s1  }
0xad: {  	s1 =	ssub.s32 @!p0 $0x0, s1;
	[sflag:s0] =	ssyncset.done @!p0 $0x0  }
0xae: {  	[sflag:s0] =	ssyncadd.s32 @!p0 s1  }
0xaf: {  	[bflag:$0x3] =	sbarrier.arrive $0xFFFF  }
0xb0: {  	_ =	shalt  }

</sc_bundles>
